<compile_context>
chip_gen: v7x
topology: tpu7x:2x2x1
jax: 0.10.2.dev20260603
libtpu: 0.0.44.dev20260713+nightly
codegen_flags: <defaults>
</compile_context>

<pallas_src>
import functools

import jax
import jax.numpy as jnp
from jax import lax
from jax.experimental import pallas as pl
from jax.experimental.pallas import tpu as pltpu
from jax.experimental.pallas import tpu_sc as plsc

Q = 1024
D = 512
N = 100000
K = 10
BK = 1024
NBLK = 98
NPAD = NBLK * BK
C = 256
MPB = BK // C
NCHUNK = NPAD // C

_SC_WORKERS = 32
_ROWS_PER_W = (Q * K) // _SC_WORKERS
_VCHUNK = 160


def _topk_extract(s, i, k):
    outs, outi = [], []
    for _ in range(k):
        m = jnp.max(s, axis=1, keepdims=True)
        cand = jnp.where(s == m, i, jnp.int32(2**31 - 1))
        sel = jnp.min(cand, axis=1, keepdims=True)
        outs.append(m)
        outi.append(sel)
        s = jnp.where(i == sel, -jnp.inf, s)
    return jnp.concatenate(outs, axis=1), jnp.concatenate(outi, axis=1)


def _chunkmax(s):
    cols = [jnp.max(s[:, c * C:(c + 1) * C], axis=1, keepdims=True)
            for c in range(MPB)]
    return jnp.concatenate(cols, axis=1)


def _sims_body(q_ref, k_ref, sims_ref, m_ref, qn_ref):
    j = pl.program_id(0)

    @pl.when(j == 0)
    def _init():
        q = q_ref[...]
        qn = jnp.sqrt(jnp.sum(q * q, axis=1, keepdims=True))
        qn_ref[...] = q / (qn + 1e-8)

    kb = k_ref[...]
    kn = jnp.sqrt(jnp.sum(kb * kb, axis=1, keepdims=True))
    kb = kb / (kn + 1e-8)
    sims = lax.dot_general(qn_ref[...], kb, (((1,), (1,)), ((), ())),
                           preferred_element_type=jnp.float32)

    col = lax.broadcasted_iota(jnp.int32, (Q, BK), 1) + j * BK
    sims = jnp.where(col >= N, -jnp.inf, sims)

    for c in range(MPB):
        sims_ref[pl.ds(c * Q, Q), :] = sims[:, c * C:(c + 1) * C]
    m_ref[0] = _chunkmax(sims)


def _sims_chunkmax(queries, keys_padded):
    return pl.pallas_call(
        _sims_body,
        grid=(NBLK,),
        in_specs=[
            pl.BlockSpec((Q, D), lambda j: (0, 0)),
            pl.BlockSpec((BK, D), lambda j: (j, 0)),
        ],
        out_specs=[
            pl.BlockSpec((MPB * Q, C), lambda j: (j, 0)),
            pl.BlockSpec((1, Q, MPB), lambda j: (j, 0, 0)),
        ],
        out_shape=[
            jax.ShapeDtypeStruct((NCHUNK * Q, C), jnp.float32),
            jax.ShapeDtypeStruct((NBLK, Q, MPB), jnp.float32),
        ],
        scratch_shapes=[pltpu.VMEM((Q, D), jnp.float32)],
        compiler_params=pltpu.CompilerParams(
            dimension_semantics=("arbitrary",),
        ),
    )(queries, keys_padded)


def _chunk_sel_body(m_ref, cid_ref, grow_ref):
    m = m_ref[...]
    ci = lax.broadcasted_iota(jnp.int32, (Q, NCHUNK), 1)
    _, cid = _topk_extract(m, ci, K)
    cid_ref[...] = cid
    grow_ref[...] = cid * Q + lax.broadcasted_iota(jnp.int32, (Q, K), 0)


def _chunk_sel(m):
    return pl.pallas_call(
        _chunk_sel_body,
        out_shape=[
            jax.ShapeDtypeStruct((Q, K), jnp.int32),
            jax.ShapeDtypeStruct((Q, K), jnp.int32),
        ],
    )(m)


@functools.cache
def _sc_cand_gather_fn():
    mesh = plsc.VectorSubcoreMesh(core_axis_name="c", subcore_axis_name="s",
                                  num_cores=2, num_subcores=16)

    @functools.partial(
        pl.kernel,
        mesh=mesh,
        out_type=jax.ShapeDtypeStruct((Q * K, C), jnp.float32),
        scratch_types=[
            pltpu.VMEM((_ROWS_PER_W,), jnp.int32),
            pltpu.VMEM((_ROWS_PER_W, C), jnp.float32),
            pltpu.SemaphoreType.DMA,
        ],
    )
    def _gather(table_hbm, idx_hbm, out_hbm, idx_v, rows_v, sem):
        wid = lax.axis_index("s") * 2 + lax.axis_index("c")
        base = wid * _ROWS_PER_W
        pltpu.sync_copy(idx_hbm.at[pl.ds(base, _ROWS_PER_W)], idx_v)
        pltpu.async_copy(table_hbm.at[idx_v], rows_v, sem).wait()
        pltpu.sync_copy(rows_v, out_hbm.at[pl.ds(base, _ROWS_PER_W)])

    return _gather


_QB3 = 256


def _final_sel_body(s_ref, cid_ref, w_ref, i_ref):
    cid = cid_ref[...]
    off = lax.broadcast_in_dim(cid * C, (_QB3, K, C), (0, 1))
    gidx = (off + lax.broadcasted_iota(jnp.int32, (_QB3, K, C), 2))
    gidx = gidx.reshape(_QB3, K * C)
    s = s_ref[...]
    s = jnp.where(gidx < N, s, -jnp.inf)
    ts, ti = _topk_extract(s, gidx, K)
    mx = jnp.max(ts, axis=1, keepdims=True)
    e = jnp.exp(ts - mx)
    w_ref[...] = e / jnp.sum(e, axis=1, keepdims=True)
    i_ref[...] = ti


def _final_sel(cands, cid):
    return pl.pallas_call(
        _final_sel_body,
        grid=(Q // _QB3,),
        in_specs=[
            pl.BlockSpec((_QB3, K * C), lambda j: (j, 0)),
            pl.BlockSpec((_QB3, K), lambda j: (j, 0)),
        ],
        out_specs=[
            pl.BlockSpec((_QB3, K), lambda j: (j, 0)),
            pl.BlockSpec((_QB3, K), lambda j: (j, 0)),
        ],
        out_shape=[
            jax.ShapeDtypeStruct((Q, K), jnp.float32),
            jax.ShapeDtypeStruct((Q, K), jnp.int32),
        ],
        compiler_params=pltpu.CompilerParams(
            dimension_semantics=("arbitrary",),
        ),
    )(cands, cid)


@functools.cache
def _sc_value_gather_fn():
    mesh = plsc.VectorSubcoreMesh(core_axis_name="c", subcore_axis_name="s",
                                  num_cores=2, num_subcores=16)

    @functools.partial(
        pl.kernel,
        mesh=mesh,
        out_type=jax.ShapeDtypeStruct((Q * K, D), jnp.float32),
        scratch_types=[
            pltpu.VMEM((_VCHUNK,), jnp.int32),
            pltpu.VMEM((_VCHUNK, D), jnp.float32),
            pltpu.SemaphoreType.DMA,
        ],
    )
    def _gather(values_hbm, idx_hbm, out_hbm, idx_v, rows_v, sem):
        wid = lax.axis_index("s") * 2 + lax.axis_index("c")
        base = wid * _ROWS_PER_W
        for c in range(_ROWS_PER_W // _VCHUNK):
            off = base + c * _VCHUNK
            pltpu.sync_copy(idx_hbm.at[pl.ds(off, _VCHUNK)], idx_v)
            pltpu.async_copy(values_hbm.at[idx_v], rows_v, sem).wait()
            pltpu.sync_copy(rows_v, out_hbm.at[pl.ds(off, _VCHUNK)])

    return _gather


_QB5 = 256


def _combine_body(g_ref, w_ref, wt_ref, b_ref, o_ref):
    g = g_ref[...]
    w = w_ref[...]
    r = jnp.sum(g * w[:, :, None], axis=1)
    logits = lax.dot_general(r, wt_ref[...], (((1,), (1,)), ((), ())),
                             preferred_element_type=jnp.float32)
    o_ref[...] = logits + b_ref[...]


def _combine(gathered, weights, W, b):
    return pl.pallas_call(
        _combine_body,
        grid=(Q // _QB5,),
        in_specs=[
            pl.BlockSpec((_QB5, K, D), lambda j: (j, 0, 0)),
            pl.BlockSpec((_QB5, K), lambda j: (j, 0)),
            pl.BlockSpec((K, D), lambda j: (0, 0)),
            pl.BlockSpec((1, K), lambda j: (0, 0)),
        ],
        out_specs=pl.BlockSpec((_QB5, K), lambda j: (j, 0)),
        out_shape=jax.ShapeDtypeStruct((Q, K), jnp.float32),
        compiler_params=pltpu.CompilerParams(
            dimension_semantics=("arbitrary",),
        ),
    )(gathered, weights, W, b)


def kernel(queries, keys, values, W, b):
    sims, m3 = _sims_chunkmax(queries, keys)
    m = m3.transpose(1, 0, 2).reshape(Q, NCHUNK)
    cid, grow = _chunk_sel(m)
    cands = _sc_cand_gather_fn()(sims, grow.reshape(Q * K))
    weights, kidx = _final_sel(cands.reshape(Q, K * C), cid)
    gathered = _sc_value_gather_fn()(values, kidx.reshape(Q * K))
    return _combine(gathered.reshape(Q, K, D), weights, W,
                    b.reshape(1, K))
    m = m3.transpose(1, 0, 2).reshape(Q, NCHUNK)
    cid, grow = _chunk_sel(m)
    cands = _sc_cand_gather_fn()(sims.reshape(Q * NCHUNK, C),
                                 grow.reshape(Q * K))
    weights, kidx = _final_sel(cands.reshape(Q, K * C), cid)
    gathered = _sc_value_gather_fn()(values, kidx.reshape(Q * K))
    return _combine(gathered.reshape(Q, K, D), weights, W,
                    b.reshape(1, K))

# --- scband reference (transcript-rebuilt; emitter-appended) ---
"""Pipeline reference for scband-smart-memory-cifar-9139690405940 (READ-ONLY COPY).

The authoritative reference and input builder live on the scoring server;
editing this copy changes nothing except your own understanding.
"""

import jax, jax.numpy as jnp
import numpy as np

TOP_K = 10

def setup_inputs(seed: int = 0) -> dict:
    key = jax.random.key(seed)
    k1, k2, k3, k4 = jax.random.split(key, 4)
    queries = jax.random.normal(k1, (1024, 512), dtype=jnp.float32)
    keys = jax.random.normal(k2, (100000, 512), dtype=jnp.float32)
    values = jax.random.normal(k3, (100000, 512), dtype=jnp.float32)
    W = jax.random.normal(k4, (10, 512), dtype=jnp.float32) * 0.02
    b = jnp.zeros((10,), dtype=jnp.float32)
    return {"queries": queries, "keys": keys, "values": values, "W": W, "b": b}

def reference(queries, keys, values, W, b):
    # 1) CLIP-style L2 normalization of query and memory keys (cosine sim)
    q = queries / (jnp.linalg.norm(queries, axis=-1, keepdims=True) + 1e-8)
    kk = keys / (jnp.linalg.norm(keys, axis=-1, keepdims=True) + 1e-8)
    # 2) KeyValueMemory.retrieve: cosine similarity, top_k=10, softmax-weighted readout
    sims = q @ kk.T                                   # [Q, K]
    top_scores, top_idx = jax.lax.top_k(sims, TOP_K)  # [Q, 10], [Q, 10]
    weights = jax.nn.softmax(top_scores, axis=-1)     # [Q, 10]
    gathered = jnp.take(values, top_idx, axis=0)      # [Q, 10, d]
    retrieved = jnp.einsum('qk,qkd->qd', weights, gathered)  # [Q, d]
    # 3) classification head (Linear initialized from label embeddings)
    logits = retrieved @ W.T + b                      # [Q, 10]
    return logits

if __name__ == "__main__":
    import jax
    _d = setup_inputs()
    print(jax.jit(kernel)(*tuple(_d.values())))

</pallas_src>

<mosaic_0001>
#map = affine_map<(d0, d1) -> (0, 0)>
#map1 = affine_map<(d0, d1) -> (0)>
module attributes {stable_mosaic.version = 14 : i64} {
  func.func @_gather(%arg0: i32, %arg1: i32, %arg2: memref<401408x256xf32, #tpu.memory_space<hbm>>, %arg3: memref<10240xi32, #tpu.memory_space<hbm>>, %arg4: memref<10240x256xf32, #tpu.memory_space<hbm>>, %arg5: memref<320xi32, #tpu.memory_space<vmem>>, %arg6: memref<320x256xf32, #tpu.memory_space<vmem>>, %arg7: memref<!tpu.dma_semaphore, #tpu.memory_space<semaphore_mem>>) attributes {dimension_semantics = [#tpu.dimension_semantics<core_parallel>, #tpu.dimension_semantics<subcore_parallel>], iteration_bounds = array<i64: 2, 16>, scalar_prefetch = 0 : i64, scratch_operands = 3 : i64, tpu.core_type = #tpu.core_type<sc_vector_subcore>, window_params = [{transform_indices = #map}, {transform_indices = #map1}, {transform_indices = #map}]} {
    %mul3A = arith.constant 2 : i32
    %mul3A_0 = arith.muli %arg1, %mul3A : i32
    %add3A = arith.addi %mul3A_0, %arg0 : i32
    %mul3A_1 = arith.constant 320 : i32
    %mul3A_2 = arith.muli %add3A, %mul3A_1 : i32
    "tpu.region"() ({
      %run_scoped3A = tpu.sem_alloc : memref<!tpu.dma_semaphore, #tpu.memory_space<semaphore_mem>>
      %dma_start3A_7 = tpu.memref_slice %arg3[%mul3A_2] : memref<10240xi32, #tpu.memory_space<hbm>> -> memref<320xi32, #tpu.memory_space<hbm>>
      %dma_start3A_8 = tpu.memref_slice %arg3[%mul3A_2] : memref<10240xi32, #tpu.memory_space<hbm>> -> memref<320xi32, #tpu.memory_space<hbm>>
      tpu.enqueue_dma source(%dma_start3A_8 : memref<320xi32, #tpu.memory_space<hbm>>) target(%arg5 : memref<320xi32, #tpu.memory_space<vmem>>) target_semaphore(%run_scoped3A : memref<!tpu.dma_semaphore, #tpu.memory_space<semaphore_mem>>)
      %dma_wait3A_9 = tpu.memref_slice %arg3[%mul3A_2] : memref<10240xi32, #tpu.memory_space<hbm>> -> memref<320xi32, #tpu.memory_space<hbm>>
      %dma_wait3A_10 = tpu.memref_slice %arg3[%mul3A_2] : memref<10240xi32, #tpu.memory_space<hbm>> -> memref<320xi32, #tpu.memory_space<hbm>>
      tpu.wait_dma2 semaphore(%run_scoped3A : memref<!tpu.dma_semaphore, #tpu.memory_space<semaphore_mem>>) src(%dma_wait3A_10 : memref<320xi32, #tpu.memory_space<hbm>>) dst(%arg5 : memref<320xi32, #tpu.memory_space<vmem>>)
      tpu.yield
    }) : () -> ()
    %dma_start3A = arith.constant 0 : i32
    %dma_start3A_3 = arith.constant 0 : i32
    %dma_start3A_4 = tpu.memref_slice %arg2[%dma_start3A, %dma_start3A_3] : memref<401408x256xf32, #tpu.memory_space<hbm>> -> memref<401408x256xf32, #tpu.memory_space<hbm>>
    tpu.enqueue_indirect_dma source(%dma_start3A_4 : memref<401408x256xf32, #tpu.memory_space<hbm>>) target(%arg6 : memref<320x256xf32, #tpu.memory_space<vmem>>) offsets(%arg5 : memref<320xi32, #tpu.memory_space<vmem>>) semaphore(%arg7 : memref<!tpu.dma_semaphore, #tpu.memory_space<semaphore_mem>>)
    %dma_wait3A = arith.constant 0 : i32
    %dma_wait3A_5 = arith.constant 0 : i32
    %dma_wait3A_6 = tpu.memref_slice %arg2[%dma_wait3A, %dma_wait3A_5] : memref<401408x256xf32, #tpu.memory_space<hbm>> -> memref<401408x256xf32, #tpu.memory_space<hbm>>
    tpu.wait_indirect_dma semaphore(%arg7 : memref<!tpu.dma_semaphore, #tpu.memory_space<semaphore_mem>>) src(%dma_wait3A_6 : memref<401408x256xf32, #tpu.memory_space<hbm>>) dst(%arg6 : memref<320x256xf32, #tpu.memory_space<vmem>>)
    "tpu.region"() ({
      %run_scoped3A = tpu.sem_alloc : memref<!tpu.dma_semaphore, #tpu.memory_space<semaphore_mem>>
      %dma_start3A_7 = arith.constant 0 : i32
      %dma_start3A_8 = tpu.memref_slice %arg4[%mul3A_2, %dma_start3A_7] : memref<10240x256xf32, #tpu.memory_space<hbm>> -> memref<320x256xf32, #tpu.memory_space<hbm>>
      %dma_start3A_9 = arith.constant 0 : i32
      %dma_start3A_10 = tpu.memref_slice %arg4[%mul3A_2, %dma_start3A_9] : memref<10240x256xf32, #tpu.memory_space<hbm>> -> memref<320x256xf32, #tpu.memory_space<hbm>>
      tpu.enqueue_dma source(%arg6 : memref<320x256xf32, #tpu.memory_space<vmem>>) target(%dma_start3A_10 : memref<320x256xf32, #tpu.memory_space<hbm>>) target_semaphore(%run_scoped3A : memref<!tpu.dma_semaphore, #tpu.memory_space<semaphore_mem>>)
      %dma_wait3A_11 = arith.constant 0 : i32
      %dma_wait3A_12 = tpu.memref_slice %arg4[%mul3A_2, %dma_wait3A_11] : memref<10240x256xf32, #tpu.memory_space<hbm>> -> memref<320x256xf32, #tpu.memory_space<hbm>>
      %dma_wait3A_13 = arith.constant 0 : i32
      %dma_wait3A_14 = tpu.memref_slice %arg4[%mul3A_2, %dma_wait3A_13] : memref<10240x256xf32, #tpu.memory_space<hbm>> -> memref<320x256xf32, #tpu.memory_space<hbm>>
      tpu.wait_dma2 semaphore(%run_scoped3A : memref<!tpu.dma_semaphore, #tpu.memory_space<semaphore_mem>>) src(%arg6 : memref<320x256xf32, #tpu.memory_space<vmem>>) dst(%dma_wait3A_14 : memref<320x256xf32, #tpu.memory_space<hbm>>)
      tpu.yield
    }) : () -> ()
    return
  }
}

#map = affine_map<(d0, d1) -> (0, 0)>
#map1 = affine_map<(d0, d1) -> (0)>
module attributes {stable_mosaic.version = 14 : i64} {
  func.func @_gather(%arg0: i32, %arg1: i32, %arg2: memref<100000x512xf32, #tpu.memory_space<hbm>>, %arg3: memref<10240xi32, #tpu.memory_space<hbm>>, %arg4: memref<10240x512xf32, #tpu.memory_space<hbm>>, %arg5: memref<160xi32, #tpu.memory_space<vmem>>, %arg6: memref<160x512xf32, #tpu.memory_space<vmem>>, %arg7: memref<!tpu.dma_semaphore, #tpu.memory_space<semaphore_mem>>) attributes {dimension_semantics = [#tpu.dimension_semantics<core_parallel>, #tpu.dimension_semantics<subcore_parallel>], iteration_bounds = array<i64: 2, 16>, scalar_prefetch = 0 : i64, scratch_operands = 3 : i64, tpu.core_type = #tpu.core_type<sc_vector_subcore>, window_params = [{transform_indices = #map}, {transform_indices = #map1}, {transform_indices = #map}]} {
    %mul3A = arith.constant 2 : i32
    %mul3A_0 = arith.muli %arg1, %mul3A : i32
    %add3A = arith.addi %mul3A_0, %arg0 : i32
    %mul3A_1 = arith.constant 320 : i32
    %mul3A_2 = arith.muli %add3A, %mul3A_1 : i32
    %add3A_3 = arith.constant 0 : i32
    %add3A_4 = arith.addi %mul3A_2, %add3A_3 : i32
    "tpu.region"() ({
      %run_scoped3A = tpu.sem_alloc : memref<!tpu.dma_semaphore, #tpu.memory_space<semaphore_mem>>
      %dma_start3A_17 = tpu.memref_slice %arg3[%add3A_4] : memref<10240xi32, #tpu.memory_space<hbm>> -> memref<160xi32, #tpu.memory_space<hbm>>
      %dma_start3A_18 = tpu.memref_slice %arg3[%add3A_4] : memref<10240xi32, #tpu.memory_space<hbm>> -> memref<160xi32, #tpu.memory_space<hbm>>
      tpu.enqueue_dma source(%dma_start3A_18 : memref<160xi32, #tpu.memory_space<hbm>>) target(%arg5 : memref<160xi32, #tpu.memory_space<vmem>>) target_semaphore(%run_scoped3A : memref<!tpu.dma_semaphore, #tpu.memory_space<semaphore_mem>>)
      %dma_wait3A_19 = tpu.memref_slice %arg3[%add3A_4] : memref<10240xi32, #tpu.memory_space<hbm>> -> memref<160xi32, #tpu.memory_space<hbm>>
      %dma_wait3A_20 = tpu.memref_slice %arg3[%add3A_4] : memref<10240xi32, #tpu.memory_space<hbm>> -> memref<160xi32, #tpu.memory_space<hbm>>
      tpu.wait_dma2 semaphore(%run_scoped3A : memref<!tpu.dma_semaphore, #tpu.memory_space<semaphore_mem>>) src(%dma_wait3A_20 : memref<160xi32, #tpu.memory_space<hbm>>) dst(%arg5 : memref<160xi32, #tpu.memory_space<vmem>>)
      tpu.yield
    }) : () -> ()
    %dma_start3A = arith.constant 0 : i32
    %dma_start3A_5 = arith.constant 0 : i32
    %dma_start3A_6 = tpu.memref_slice %arg2[%dma_start3A, %dma_start3A_5] : memref<100000x512xf32, #tpu.memory_space<hbm>> -> memref<100000x512xf32, #tpu.memory_space<hbm>>
    tpu.enqueue_indirect_dma source(%dma_start3A_6 : memref<100000x512xf32, #tpu.memory_space<hbm>>) target(%arg6 : memref<160x512xf32, #tpu.memory_space<vmem>>) offsets(%arg5 : memref<160xi32, #tpu.memory_space<vmem>>) semaphore(%arg7 : memref<!tpu.dma_semaphore, #tpu.memory_space<semaphore_mem>>)
    %dma_wait3A = arith.constant 0 : i32
    %dma_wait3A_7 = arith.constant 0 : i32
    %dma_wait3A_8 = tpu.memref_slice %arg2[%dma_wait3A, %dma_wait3A_7] : memref<100000x512xf32, #tpu.memory_space<hbm>> -> memref<100000x512xf32, #tpu.memory_space<hbm>>
    tpu.wait_indirect_dma semaphore(%arg7 : memref<!tpu.dma_semaphore, #tpu.memory_space<semaphore_mem>>) src(%dma_wait3A_8 : memref<100000x512xf32, #tpu.memory_space<hbm>>) dst(%arg6 : memref<160x512xf32, #tpu.memory_space<vmem>>)
    "tpu.region"() ({
      %run_scoped3A = tpu.sem_alloc : memref<!tpu.dma_semaphore, #tpu.memory_space<semaphore_mem>>
      %dma_start3A_17 = arith.constant 0 : i32
      %dma_start3A_18 = tpu.memref_slice %arg4[%add3A_4, %dma_start3A_17] : memref<10240x512xf32, #tpu.memory_space<hbm>> -> memref<160x512xf32, #tpu.memory_space<hbm>>
      %dma_start3A_19 = arith.constant 0 : i32
      %dma_start3A_20 = tpu.memref_slice %arg4[%add3A_4, %dma_start3A_19] : memref<10240x512xf32, #tpu.memory_space<hbm>> -> memref<160x512xf32, #tpu.memory_space<hbm>>
      tpu.enqueue_dma source(%arg6 : memref<160x512xf32, #tpu.memory_space<vmem>>) target(%dma_start3A_20 : memref<160x512xf32, #tpu.memory_space<hbm>>) target_semaphore(%run_scoped3A : memref<!tpu.dma_semaphore, #tpu.memory_space<semaphore_mem>>)
      %dma_wait3A_21 = arith.constant 0 : i32
      %dma_wait3A_22 = tpu.memref_slice %arg4[%add3A_4, %dma_wait3A_21] : memref<10240x512xf32, #tpu.memory_space<hbm>> -> memref<160x512xf32, #tpu.memory_space<hbm>>
      %dma_wait3A_23 = arith.constant 0 : i32
      %dma_wait3A_24 = tpu.memref_slice %arg4[%add3A_4, %dma_wait3A_23] : memref<10240x512xf32, #tpu.memory_space<hbm>> -> memref<160x512xf32, #tpu.memory_space<hbm>>
      tpu.wait_dma2 semaphore(%run_scoped3A : memref<!tpu.dma_semaphore, #tpu.memory_space<semaphore_mem>>) src(%arg6 : memref<160x512xf32, #tpu.memory_space<vmem>>) dst(%dma_wait3A_24 : memref<160x512xf32, #tpu.memory_space<hbm>>)
      tpu.yield
    }) : () -> ()
    %add3A_9 = arith.constant 160 : i32
    %add3A_10 = arith.addi %mul3A_2, %add3A_9 : i32
    "tpu.region"() ({
      %run_scoped3A = tpu.sem_alloc : memref<!tpu.dma_semaphore, #tpu.memory_space<semaphore_mem>>
      %dma_start3A_17 = tpu.memref_slice %arg3[%add3A_10] : memref<10240xi32, #tpu.memory_space<hbm>> -> memref<160xi32, #tpu.memory_space<hbm>>
      %dma_start3A_18 = tpu.memref_slice %arg3[%add3A_10] : memref<10240xi32, #tpu.memory_space<hbm>> -> memref<160xi32, #tpu.memory_space<hbm>>
      tpu.enqueue_dma source(%dma_start3A_18 : memref<160xi32, #tpu.memory_space<hbm>>) target(%arg5 : memref<160xi32, #tpu.memory_space<vmem>>) target_semaphore(%run_scoped3A : memref<!tpu.dma_semaphore, #tpu.memory_space<semaphore_mem>>)
      %dma_wait3A_19 = tpu.memref_slice %arg3[%add3A_10] : memref<10240xi32, #tpu.memory_space<hbm>> -> memref<160xi32, #tpu.memory_space<hbm>>
      %dma_wait3A_20 = tpu.memref_slice %arg3[%add3A_10] : memref<10240xi32, #tpu.memory_space<hbm>> -> memref<160xi32, #tpu.memory_space<hbm>>
      tpu.wait_dma2 semaphore(%run_scoped3A : memref<!tpu.dma_semaphore, #tpu.memory_space<semaphore_mem>>) src(%dma_wait3A_20 : memref<160xi32, #tpu.memory_space<hbm>>) dst(%arg5 : memref<160xi32, #tpu.memory_space<vmem>>)
      tpu.yield
    }) : () -> ()
    %dma_start3A_11 = arith.constant 0 : i32
    %dma_start3A_12 = arith.constant 0 : i32
    %dma_start3A_13 = tpu.memref_slice %arg2[%dma_start3A_11, %dma_start3A_12] : memref<100000x512xf32, #tpu.memory_space<hbm>> -> memref<100000x512xf32, #tpu.memory_space<hbm>>
    tpu.enqueue_indirect_dma source(%dma_start3A_13 : memref<100000x512xf32, #tpu.memory_space<hbm>>) target(%arg6 : memref<160x512xf32, #tpu.memory_space<vmem>>) offsets(%arg5 : memref<160xi32, #tpu.memory_space<vmem>>) semaphore(%arg7 : memref<!tpu.dma_semaphore, #tpu.memory_space<semaphore_mem>>)
    %dma_wait3A_14 = arith.constant 0 : i32
    %dma_wait3A_15 = arith.constant 0 : i32
    %dma_wait3A_16 = tpu.memref_slice %arg2[%dma_wait3A_14, %dma_wait3A_15] : memref<100000x512xf32, #tpu.memory_space<hbm>> -> memref<100000x512xf32, #tpu.memory_space<hbm>>
    tpu.wait_indirect_dma semaphore(%arg7 : memref<!tpu.dma_semaphore, #tpu.memory_space<semaphore_mem>>) src(%dma_wait3A_16 : memref<100000x512xf32, #tpu.memory_space<hbm>>) dst(%arg6 : memref<160x512xf32, #tpu.memory_space<vmem>>)
    "tpu.region"() ({
      %run_scoped3A = tpu.sem_alloc : memref<!tpu.dma_semaphore, #tpu.memory_space<semaphore_mem>>
      %dma_start3A_17 = arith.constant 0 : i32
      %dma_start3A_18 = tpu.memref_slice %arg4[%add3A_10, %dma_start3A_17] : memref<10240x512xf32, #tpu.memory_space<hbm>> -> memref<160x512xf32, #tpu.memory_space<hbm>>
      %dma_start3A_19 = arith.constant 0 : i32
      %dma_start3A_20 = tpu.memref_slice %arg4[%add3A_10, %dma_start3A_19] : memref<10240x512xf32, #tpu.memory_space<hbm>> -> memref<160x512xf32, #tpu.memory_space<hbm>>
      tpu.enqueue_dma source(%arg6 : memref<160x512xf32, #tpu.memory_space<vmem>>) target(%dma_start3A_20 : memref<160x512xf32, #tpu.memory_space<hbm>>) target_semaphore(%run_scoped3A : memref<!tpu.dma_semaphore, #tpu.memory_space<semaphore_mem>>)
      %dma_wait3A_21 = arith.constant 0 : i32
      %dma_wait3A_22 = tpu.memref_slice %arg4[%add3A_10, %dma_wait3A_21] : memref<10240x512xf32, #tpu.memory_space<hbm>> -> memref<160x512xf32, #tpu.memory_space<hbm>>
      %dma_wait3A_23 = arith.constant 0 : i32
      %dma_wait3A_24 = tpu.memref_slice %arg4[%add3A_10, %dma_wait3A_23] : memref<10240x512xf32, #tpu.memory_space<hbm>> -> memref<160x512xf32, #tpu.memory_space<hbm>>
      tpu.wait_dma2 semaphore(%run_scoped3A : memref<!tpu.dma_semaphore, #tpu.memory_space<semaphore_mem>>) src(%arg6 : memref<160x512xf32, #tpu.memory_space<vmem>>) dst(%dma_wait3A_24 : memref<160x512xf32, #tpu.memory_space<hbm>>)
      tpu.yield
    }) : () -> ()
    return
  }
}

module attributes {stable_mosaic.version = 14 : i64} {
  func.func @_sims_body(%arg0: i32, %arg1: memref<1024x512xf32, #tpu.memory_space<vmem>>, %arg2: memref<1024x512xf32, #tpu.memory_space<vmem>>, %arg3: memref<4096x256xf32, #tpu.memory_space<vmem>>, %arg4: memref<1x1024x4xf32, #tpu.memory_space<vmem>>, %arg5: memref<1024x512xf32, #tpu.memory_space<vmem>>) attributes {dimension_semantics = [#tpu.dimension_semantics<arbitrary>], iteration_bounds = array<i64: 98>, scalar_prefetch = 0 : i64, scratch_operands = 1 : i64, tpu.core_type = #tpu.core_type<tc>, window_params = [{pipeline_mode = #tpu.pipeline_mode<synchronous>, transform_indices = @transform_0, window_bounds = array<i64: 1024, 512>}, {transform_indices = @transform_1, window_bounds = array<i64: 1024, 512>}, {transform_indices = @transform_2, window_bounds = array<i64: 4096, 256>}, {transform_indices = @transform_3, window_bounds = array<i64: 1, 1024, 4>}]} {
    %eq3A = arith.constant 0 : i32
    %eq3A_0 = arith.cmpi eq, %arg0, %eq3A : i32
    %convert_element_type3A = arith.extui %eq3A_0 : i1 to i32
    %cond3A = arith.constant 0 : i32
    %cond3A_1 = arith.cmpi ne, %convert_element_type3A, %cond3A : i32
    scf.if %cond3A_1 {
      %get3A_54 = arith.constant 0 : index
      %get3A_55 = arith.constant 0 : index
      %get3A_56 = vector.load %arg1[%get3A_54, %get3A_55] : memref<1024x512xf32, #tpu.memory_space<vmem>>, vector<1024x512xf32>
      %mul3A_57 = arith.mulf %get3A_56, %get3A_56 : vector<1024x512xf32>
      %reduce_sum3A_58 = arith.constant dense<0.000000e+00> : vector<1024xf32>
      %reduce_sum3A_59 = vector.multi_reduction <add>, %mul3A_57, %reduce_sum3A_58 [1] : vector<1024x512xf32> to vector<1024xf32>
      %broadcast_in_dim3A_60 = vector.shape_cast %reduce_sum3A_59 : vector<1024xf32> to vector<1024x1xf32>
      %sqrt3A_61 = math.sqrt %broadcast_in_dim3A_60 : vector<1024x1xf32>
      %add3A_62 = arith.constant 9.99999993E-9 : f32
      %add3A_63 = vector.broadcast %add3A_62 : f32 to vector<1024x1xf32>
      %add3A_64 = arith.addf %sqrt3A_61, %add3A_63 : vector<1024x1xf32>
      %div3A_65 = vector.broadcast %add3A_64 : vector<1024x1xf32> to vector<1024x512xf32>
      %div3A_66 = arith.divf %get3A_56, %div3A_65 : vector<1024x512xf32>
      %swap3A_67 = arith.constant 0 : index
      %swap3A_68 = arith.constant 0 : index
      %swap3A_69 = vector.load %arg5[%swap3A_67, %swap3A_68] : memref<1024x512xf32, #tpu.memory_space<vmem>>, vector<1024x512xf32>
      tpu.vector_store %arg5[%swap3A_67, %swap3A_68], %div3A_66 {strides = array<i32>} : memref<1024x512xf32, #tpu.memory_space<vmem>>, vector<1024x512xf32>,
    } else {
    }
    %get3A = arith.constant 0 : index
    %get3A_2 = arith.constant 0 : index
    %get3A_3 = vector.load %arg2[%get3A, %get3A_2] : memref<1024x512xf32, #tpu.memory_space<vmem>>, vector<1024x512xf32>
    %mul3A = arith.mulf %get3A_3, %get3A_3 : vector<1024x512xf32>
    %reduce_sum3A = arith.constant dense<0.000000e+00> : vector<1024xf32>
    %reduce_sum3A_4 = vector.multi_reduction <add>, %mul3A, %reduce_sum3A [1] : vector<1024x512xf32> to vector<1024xf32>
    %broadcast_in_dim3A = vector.shape_cast %reduce_sum3A_4 : vector<1024xf32> to vector<1024x1xf32>
    %sqrt3A = math.sqrt %broadcast_in_dim3A : vector<1024x1xf32>
    %add3A = arith.constant 9.99999993E-9 : f32
    %add3A_5 = vector.broadcast %add3A : f32 to vector<1024x1xf32>
    %add3A_6 = arith.addf %sqrt3A, %add3A_5 : vector<1024x1xf32>
    %div3A = vector.broadcast %add3A_6 : vector<1024x1xf32> to vector<1024x512xf32>
    %div3A_7 = arith.divf %get3A_3, %div3A : vector<1024x512xf32>
    %get3A_8 = arith.constant 0 : index
    %get3A_9 = arith.constant 0 : index
    %get3A_10 = vector.load %arg5[%get3A_8, %get3A_9] : memref<1024x512xf32, #tpu.memory_space<vmem>>, vector<1024x512xf32>
    %dot_general3A = arith.constant dense<0.000000e+00> : vector<1024x1024xf32>
    %dot_general3A_11 = tpu.matmul %get3A_10, %div3A_7, %dot_general3A {dimension_numbers = #tpu.dot_dimension_numbers<[1], [1], [0], [0], [0, 0, 1, 0], [], []>, transpose_lhs_hint = false} : vector<1024x512xf32>, vector<1024x512xf32>, vector<1024x1024xf32> -> vector<1024x1024xf32>
    %iota3A = tpu.iota {dimensions = array<i32: 1>} : vector<1024x1024xi32>
    %mul3A_12 = arith.constant 1024 : i32
    %mul3A_13 = arith.muli %arg0, %mul3A_12 : i32
    %add3A_14 = vector.broadcast %mul3A_13 : i32 to vector<1024x1024xi32>
    %add3A_15 = arith.addi %iota3A, %add3A_14 : vector<1024x1024xi32>
    %ge3A = arith.constant 100000 : i32
    %ge3A_16 = vector.broadcast %ge3A : i32 to vector<1024x1024xi32>
    %ge3A_17 = arith.cmpi sge, %add3A_15, %ge3A_16 : vector<1024x1024xi32>
    %jit3A = arith.constant 0xFF800000 : f32
    %broadcast_in_dim3A_18 = vector.broadcast %jit3A : f32 to vector<1024x1024xf32>
    %select_n3A = arith.select %ge3A_17, %broadcast_in_dim3A_18, %dot_general3A_11 : vector<1024x1024xi1>, vector<1024x1024xf32>
    %slice3A = vector.extract_strided_slice %select_n3A {offsets = [0, 0], sizes = [1024, 256], strides = [1, 1]} : vector<1024x1024xf32> to vector<1024x256xf32>
    %swap3A = arith.constant 0 : index
    %swap3A_19 = arith.constant 0 : index
    %swap3A_20 = vector.load %arg3[%swap3A, %swap3A_19] : memref<4096x256xf32, #tpu.memory_space<vmem>>, vector<1024x256xf32>
    tpu.vector_store %arg3[%swap3A, %swap3A_19], %slice3A {strides = array<i32>} : memref<4096x256xf32, #tpu.memory_space<vmem>>, vector<1024x256xf32>,
    %slice3A_21 = vector.extract_strided_slice %select_n3A {offsets = [0, 256], sizes = [1024, 256], strides = [1, 1]} : vector<1024x1024xf32> to vector<1024x256xf32>
    %swap3A_22 = arith.constant 1024 : index
    %swap3A_23 = arith.constant 0 : index
    %swap3A_24 = vector.load %arg3[%swap3A_22, %swap3A_23] : memref<4096x256xf32, #tpu.memory_space<vmem>>, vector<1024x256xf32>
    tpu.vector_store %arg3[%swap3A_22, %swap3A_23], %slice3A_21 {strides = array<i32>} : memref<4096x256xf32, #tpu.memory_space<vmem>>, vector<1024x256xf32>,
    %slice3A_25 = vector.extract_strided_slice %select_n3A {offsets = [0, 512], sizes = [1024, 256], strides = [1, 1]} : vector<1024x1024xf32> to vector<1024x256xf32>
    %swap3A_26 = arith.constant 2048 : index
    %swap3A_27 = arith.constant 0 : index
    %swap3A_28 = vector.load %arg3[%swap3A_26, %swap3A_27] : memref<4096x256xf32, #tpu.memory_space<vmem>>, vector<1024x256xf32>
    tpu.vector_store %arg3[%swap3A_26, %swap3A_27], %slice3A_25 {strides = array<i32>} : memref<4096x256xf32, #tpu.memory_space<vmem>>, vector<1024x256xf32>,
    %slice3A_29 = vector.extract_strided_slice %select_n3A {offsets = [0, 768], sizes = [1024, 256], strides = [1, 1]} : vector<1024x1024xf32> to vector<1024x256xf32>
    %swap3A_30 = arith.constant 3072 : index
    %swap3A_31 = arith.constant 0 : index
    %swap3A_32 = vector.load %arg3[%swap3A_30, %swap3A_31] : memref<4096x256xf32, #tpu.memory_space<vmem>>, vector<1024x256xf32>
    tpu.vector_store %arg3[%swap3A_30, %swap3A_31], %slice3A_29 {strides = array<i32>} : memref<4096x256xf32, #tpu.memory_space<vmem>>, vector<1024x256xf32>,
    %slice3A_33 = vector.extract_strided_slice %select_n3A {offsets = [0, 0], sizes = [1024, 256], strides = [1, 1]} : vector<1024x1024xf32> to vector<1024x256xf32>
    %reduce_max3A = arith.constant dense<0xFF800000> : vector<1024xf32>
    %reduce_max3A_34 = vector.multi_reduction <maximumf>, %slice3A_33, %reduce_max3A [1] : vector<1024x256xf32> to vector<1024xf32>
    %broadcast_in_dim3A_35 = vector.shape_cast %reduce_max3A_34 : vector<1024xf32> to vector<1024x1xf32>
    %slice3A_36 = vector.extract_strided_slice %select_n3A {offsets = [0, 256], sizes = [1024, 256], strides = [1, 1]} : vector<1024x1024xf32> to vector<1024x256xf32>
    %reduce_max3A_37 = arith.constant dense<0xFF800000> : vector<1024xf32>
    %reduce_max3A_38 = vector.multi_reduction <maximumf>, %slice3A_36, %reduce_max3A_37 [1] : vector<1024x256xf32> to vector<1024xf32>
    %broadcast_in_dim3A_39 = vector.shape_cast %reduce_max3A_38 : vector<1024xf32> to vector<1024x1xf32>
    %slice3A_40 = vector.extract_strided_slice %select_n3A {offsets = [0, 512], sizes = [1024, 256], strides = [1, 1]} : vector<1024x1024xf32> to vector<1024x256xf32>
    %reduce_max3A_41 = arith.constant dense<0xFF800000> : vector<1024xf32>
    %reduce_max3A_42 = vector.multi_reduction <maximumf>, %slice3A_40, %reduce_max3A_41 [1] : vector<1024x256xf32> to vector<1024xf32>
    %broadcast_in_dim3A_43 = vector.shape_cast %reduce_max3A_42 : vector<1024xf32> to vector<1024x1xf32>
    %slice3A_44 = vector.extract_strided_slice %select_n3A {offsets = [0, 768], sizes = [1024, 256], strides = [1, 1]} : vector<1024x1024xf32> to vector<1024x256xf32>
    %reduce_max3A_45 = arith.constant dense<0xFF800000> : vector<1024xf32>
    %reduce_max3A_46 = vector.multi_reduction <maximumf>, %slice3A_44, %reduce_max3A_45 [1] : vector<1024x256xf32> to vector<1024xf32>
    %broadcast_in_dim3A_47 = vector.shape_cast %reduce_max3A_46 : vector<1024xf32> to vector<1024x1xf32>
    %concatenate3A = tpu.concatenate %broadcast_in_dim3A_35, %broadcast_in_dim3A_39, %broadcast_in_dim3A_43, %broadcast_in_dim3A_47 in 1 : vector<1024x1xf32>, vector<1024x1xf32>, vector<1024x1xf32>, vector<1024x1xf32> -> vector<1024x4xf32>
    %swap3A_48 = arith.constant 0 : index
    %swap3A_49 = arith.constant 0 : index
    %swap3A_50 = arith.constant 0 : index
    %swap3A_51 = vector.load %arg4[%swap3A_48, %swap3A_49, %swap3A_50] : memref<1x1024x4xf32, #tpu.memory_space<vmem>>, vector<1x1024x4xf32>
    %swap3A_52 = vector.shape_cast %swap3A_51 : vector<1x1024x4xf32> to vector<1024x4xf32>
    %swap3A_53 = vector.shape_cast %concatenate3A : vector<1024x4xf32> to vector<1x1024x4xf32>
    tpu.vector_store %arg4[%swap3A_48, %swap3A_49, %swap3A_50], %swap3A_53 {strides = array<i32>} : memref<1x1024x4xf32, #tpu.memory_space<vmem>>, vector<1x1024x4xf32>,
    return
  }
  func.func @transform_0(%arg0: i32) -> (i32, i32) {
    %c0_i32 = arith.constant 0 : i32
    %c0_i32_0 = arith.constant 0 : i32
    %c0_i32_1 = arith.constant 0 : i32
    return %c0_i32, %c0_i32_0 : i32, i32
  }
  func.func @transform_1(%arg0: i32) -> (i32, i32) {
    %c0_i32 = arith.constant 0 : i32
    %c0_i32_0 = arith.constant 0 : i32
    return %arg0, %c0_i32 : i32, i32
  }
  func.func @transform_2(%arg0: i32) -> (i32, i32) {
    %c0_i32 = arith.constant 0 : i32
    %c0_i32_0 = arith.constant 0 : i32
    return %arg0, %c0_i32 : i32, i32
  }
  func.func @transform_3(%arg0: i32) -> (i32, i32, i32) {
    %c0_i32 = arith.constant 0 : i32
    %c0_i32_0 = arith.constant 0 : i32
    %c0_i32_1 = arith.constant 0 : i32
    return %arg0, %c0_i32, %c0_i32_0 : i32, i32, i32
  }
}

module attributes {stable_mosaic.version = 14 : i64} {
  func.func @_chunk_sel_body(%arg0: memref<1024x392xf32, #tpu.memory_space<vmem>>, %arg1: memref<1024x10xi32, #tpu.memory_space<vmem>>, %arg2: memref<1024x10xi32, #tpu.memory_space<vmem>>) attributes {dimension_semantics = [], scalar_prefetch = 0 : i64, scratch_operands = 0 : i64, tpu.core_type = #tpu.core_type<tc>} {
    %get3A = arith.constant 0 : index
    %get3A_0 = arith.constant 0 : index
    %get3A_1 = vector.load %arg0[%get3A, %get3A_0] : memref<1024x392xf32, #tpu.memory_space<vmem>>, vector<1024x392xf32>
    %iota3A = tpu.iota {dimensions = array<i32: 1>} : vector<1024x392xi32>
    %reduce_max3A = arith.constant dense<0xFF800000> : vector<1024xf32>
    %reduce_max3A_2 = vector.multi_reduction <maximumf>, %get3A_1, %reduce_max3A [1] : vector<1024x392xf32> to vector<1024xf32>
    %broadcast_in_dim3A = vector.shape_cast %reduce_max3A_2 : vector<1024xf32> to vector<1024x1xf32>
    %eq3A = vector.broadcast %broadcast_in_dim3A : vector<1024x1xf32> to vector<1024x392xf32>
    %eq3A_3 = arith.cmpf oeq, %get3A_1, %eq3A : vector<1024x392xf32>
    %jit3A = arith.constant 2147483647 : i32
    %broadcast_in_dim3A_4 = vector.broadcast %jit3A : i32 to vector<1024x392xi32>
    %select_n3A = arith.select %eq3A_3, %iota3A, %broadcast_in_dim3A_4 : vector<1024x392xi1>, vector<1024x392xi32>
    %reduce_min3A = arith.constant dense<2147483647> : vector<1024xi32>
    %reduce_min3A_5 = vector.multi_reduction <minsi>, %select_n3A, %reduce_min3A [1] : vector<1024x392xi32> to vector<1024xi32>
    %broadcast_in_dim3A_6 = vector.shape_cast %reduce_min3A_5 : vector<1024xi32> to vector<1024x1xi32>
    %eq3A_7 = vector.broadcast %broadcast_in_dim3A_6 : vector<1024x1xi32> to vector<1024x392xi32>
    %eq3A_8 = arith.cmpi eq, %iota3A, %eq3A_7 : vector<1024x392xi32>
    %jit3A_9 = arith.constant 0xFF800000 : f32
    %broadcast_in_dim3A_10 = vector.broadcast %jit3A_9 : f32 to vector<1024x392xf32>
    %select_n3A_11 = arith.select %eq3A_8, %broadcast_in_dim3A_10, %get3A_1 : vector<1024x392xi1>, vector<1024x392xf32>
    %reduce_max3A_12 = arith.constant dense<0xFF800000> : vector<1024xf32>
    %reduce_max3A_13 = vector.multi_reduction <maximumf>, %select_n3A_11, %reduce_max3A_12 [1] : vector<1024x392xf32> to vector<1024xf32>
    %broadcast_in_dim3A_14 = vector.shape_cast %reduce_max3A_13 : vector<1024xf32> to vector<1024x1xf32>
    %eq3A_15 = vector.broadcast %broadcast_in_dim3A_14 : vector<1024x1xf32> to vector<1024x392xf32>
    %eq3A_16 = arith.cmpf oeq, %select_n3A_11, %eq3A_15 : vector<1024x392xf32>
    %jit3A_17 = arith.constant 2147483647 : i32
    %broadcast_in_dim3A_18 = vector.broadcast %jit3A_17 : i32 to vector<1024x392xi32>
    %select_n3A_19 = arith.select %eq3A_16, %iota3A, %broadcast_in_dim3A_18 : vector<1024x392xi1>, vector<1024x392xi32>
    %reduce_min3A_20 = arith.constant dense<2147483647> : vector<1024xi32>
    %reduce_min3A_21 = vector.multi_reduction <minsi>, %select_n3A_19, %reduce_min3A_20 [1] : vector<1024x392xi32> to vector<1024xi32>
    %broadcast_in_dim3A_22 = vector.shape_cast %reduce_min3A_21 : vector<1024xi32> to vector<1024x1xi32>
    %eq3A_23 = vector.broadcast %broadcast_in_dim3A_22 : vector<1024x1xi32> to vector<1024x392xi32>
    %eq3A_24 = arith.cmpi eq, %iota3A, %eq3A_23 : vector<1024x392xi32>
    %jit3A_25 = arith.constant 0xFF800000 : f32
    %broadcast_in_dim3A_26 = vector.broadcast %jit3A_25 : f32 to vector<1024x392xf32>
    %select_n3A_27 = arith.select %eq3A_24, %broadcast_in_dim3A_26, %select_n3A_11 : vector<1024x392xi1>, vector<1024x392xf32>
    %reduce_max3A_28 = arith.constant dense<0xFF800000> : vector<1024xf32>
    %reduce_max3A_29 = vector.multi_reduction <maximumf>, %select_n3A_27, %reduce_max3A_28 [1] : vector<1024x392xf32> to vector<1024xf32>
    %broadcast_in_dim3A_30 = vector.shape_cast %reduce_max3A_29 : vector<1024xf32> to vector<1024x1xf32>
    %eq3A_31 = vector.broadcast %broadcast_in_dim3A_30 : vector<1024x1xf32> to vector<1024x392xf32>
    %eq3A_32 = arith.cmpf oeq, %select_n3A_27, %eq3A_31 : vector<1024x392xf32>
    %jit3A_33 = arith.constant 2147483647 : i32
    %broadcast_in_dim3A_34 = vector.broadcast %jit3A_33 : i32 to vector<1024x392xi32>
    %select_n3A_35 = arith.select %eq3A_32, %iota3A, %broadcast_in_dim3A_34 : vector<1024x392xi1>, vector<1024x392xi32>
    %reduce_min3A_36 = arith.constant dense<2147483647> : vector<1024xi32>
    %reduce_min3A_37 = vector.multi_reduction <minsi>, %select_n3A_35, %reduce_min3A_36 [1] : vector<1024x392xi32> to vector<1024xi32>
    %broadcast_in_dim3A_38 = vector.shape_cast %reduce_min3A_37 : vector<1024xi32> to vector<1024x1xi32>
    %eq3A_39 = vector.broadcast %broadcast_in_dim3A_38 : vector<1024x1xi32> to vector<1024x392xi32>
    %eq3A_40 = arith.cmpi eq, %iota3A, %eq3A_39 : vector<1024x392xi32>
    %jit3A_41 = arith.constant 0xFF800000 : f32
    %broadcast_in_dim3A_42 = vector.broadcast %jit3A_41 : f32 to vector<1024x392xf32>
    %select_n3A_43 = arith.select %eq3A_40, %broadcast_in_dim3A_42, %select_n3A_27 : vector<1024x392xi1>, vector<1024x392xf32>
    %reduce_max3A_44 = arith.constant dense<0xFF800000> : vector<1024xf32>
    %reduce_max3A_45 = vector.multi_reduction <maximumf>, %select_n3A_43, %reduce_max3A_44 [1] : vector<1024x392xf32> to vector<1024xf32>
    %broadcast_in_dim3A_46 = vector.shape_cast %reduce_max3A_45 : vector<1024xf32> to vector<1024x1xf32>
    %eq3A_47 = vector.broadcast %broadcast_in_dim3A_46 : vector<1024x1xf32> to vector<1024x392xf32>
    %eq3A_48 = arith.cmpf oeq, %select_n3A_43, %eq3A_47 : vector<1024x392xf32>
    %jit3A_49 = arith.constant 2147483647 : i32
    %broadcast_in_dim3A_50 = vector.broadcast %jit3A_49 : i32 to vector<1024x392xi32>
    %select_n3A_51 = arith.select %eq3A_48, %iota3A, %broadcast_in_dim3A_50 : vector<1024x392xi1>, vector<1024x392xi32>
    %reduce_min3A_52 = arith.constant dense<2147483647> : vector<1024xi32>
    %reduce_min3A_53 = vector.multi_reduction <minsi>, %select_n3A_51, %reduce_min3A_52 [1] : vector<1024x392xi32> to vector<1024xi32>
    %broadcast_in_dim3A_54 = vector.shape_cast %reduce_min3A_53 : vector<1024xi32> to vector<1024x1xi32>
    %eq3A_55 = vector.broadcast %broadcast_in_dim3A_54 : vector<1024x1xi32> to vector<1024x392xi32>
    %eq3A_56 = arith.cmpi eq, %iota3A, %eq3A_55 : vector<1024x392xi32>
    %jit3A_57 = arith.constant 0xFF800000 : f32
    %broadcast_in_dim3A_58 = vector.broadcast %jit3A_57 : f32 to vector<1024x392xf32>
    %select_n3A_59 = arith.select %eq3A_56, %broadcast_in_dim3A_58, %select_n3A_43 : vector<1024x392xi1>, vector<1024x392xf32>
    %reduce_max3A_60 = arith.constant dense<0xFF800000> : vector<1024xf32>
    %reduce_max3A_61 = vector.multi_reduction <maximumf>, %select_n3A_59, %reduce_max3A_60 [1] : vector<1024x392xf32> to vector<1024xf32>
    %broadcast_in_dim3A_62 = vector.shape_cast %reduce_max3A_61 : vector<1024xf32> to vector<1024x1xf32>
    %eq3A_63 = vector.broadcast %broadcast_in_dim3A_62 : vector<1024x1xf32> to vector<1024x392xf32>
    %eq3A_64 = arith.cmpf oeq, %select_n3A_59, %eq3A_63 : vector<1024x392xf32>
    %jit3A_65 = arith.constant 2147483647 : i32
    %broadcast_in_dim3A_66 = vector.broadcast %jit3A_65 : i32 to vector<1024x392xi32>
    %select_n3A_67 = arith.select %eq3A_64, %iota3A, %broadcast_in_dim3A_66 : vector<1024x392xi1>, vector<1024x392xi32>
    %reduce_min3A_68 = arith.constant dense<2147483647> : vector<1024xi32>
    %reduce_min3A_69 = vector.multi_reduction <minsi>, %select_n3A_67, %reduce_min3A_68 [1] : vector<1024x392xi32> to vector<1024xi32>
    %broadcast_in_dim3A_70 = vector.shape_cast %reduce_min3A_69 : vector<1024xi32> to vector<1024x1xi32>
    %eq3A_71 = vector.broadcast %broadcast_in_dim3A_70 : vector<1024x1xi32> to vector<1024x392xi32>
    %eq3A_72 = arith.cmpi eq, %iota3A, %eq3A_71 : vector<1024x392xi32>
    %jit3A_73 = arith.constant 0xFF800000 : f32
    %broadcast_in_dim3A_74 = vector.broadcast %jit3A_73 : f32 to vector<1024x392xf32>
    %select_n3A_75 = arith.select %eq3A_72, %broadcast_in_dim3A_74, %select_n3A_59 : vector<1024x392xi1>, vector<1024x392xf32>
    %reduce_max3A_76 = arith.constant dense<0xFF800000> : vector<1024xf32>
    %reduce_max3A_77 = vector.multi_reduction <maximumf>, %select_n3A_75, %reduce_max3A_76 [1] : vector<1024x392xf32> to vector<1024xf32>
    %broadcast_in_dim3A_78 = vector.shape_cast %reduce_max3A_77 : vector<1024xf32> to vector<1024x1xf32>
    %eq3A_79 = vector.broadcast %broadcast_in_dim3A_78 : vector<1024x1xf32> to vector<1024x392xf32>
    %eq3A_80 = arith.cmpf oeq, %select_n3A_75, %eq3A_79 : vector<1024x392xf32>
    %jit3A_81 = arith.constant 2147483647 : i32
    %broadcast_in_dim3A_82 = vector.broadcast %jit3A_81 : i32 to vector<1024x392xi32>
    %select_n3A_83 = arith.select %eq3A_80, %iota3A, %broadcast_in_dim3A_82 : vector<1024x392xi1>, vector<1024x392xi32>
    %reduce_min3A_84 = arith.constant dense<2147483647> : vector<1024xi32>
    %reduce_min3A_85 = vector.multi_reduction <minsi>, %select_n3A_83, %reduce_min3A_84 [1] : vector<1024x392xi32> to vector<1024xi32>
    %broadcast_in_dim3A_86 = vector.shape_cast %reduce_min3A_85 : vector<1024xi32> to vector<1024x1xi32>
    %eq3A_87 = vector.broadcast %broadcast_in_dim3A_86 : vector<1024x1xi32> to vector<1024x392xi32>
    %eq3A_88 = arith.cmpi eq, %iota3A, %eq3A_87 : vector<1024x392xi32>
    %jit3A_89 = arith.constant 0xFF800000 : f32
    %broadcast_in_dim3A_90 = vector.broadcast %jit3A_89 : f32 to vector<1024x392xf32>
    %select_n3A_91 = arith.select %eq3A_88, %broadcast_in_dim3A_90, %select_n3A_75 : vector<1024x392xi1>, vector<1024x392xf32>
    %reduce_max3A_92 = arith.constant dense<0xFF800000> : vector<1024xf32>
    %reduce_max3A_93 = vector.multi_reduction <maximumf>, %select_n3A_91, %reduce_max3A_92 [1] : vector<1024x392xf32> to vector<1024xf32>
    %broadcast_in_dim3A_94 = vector.shape_cast %reduce_max3A_93 : vector<1024xf32> to vector<1024x1xf32>
    %eq3A_95 = vector.broadcast %broadcast_in_dim3A_94 : vector<1024x1xf32> to vector<1024x392xf32>
    %eq3A_96 = arith.cmpf oeq, %select_n3A_91, %eq3A_95 : vector<1024x392xf32>
    %jit3A_97 = arith.constant 2147483647 : i32
    %broadcast_in_dim3A_98 = vector.broadcast %jit3A_97 : i32 to vector<1024x392xi32>
    %select_n3A_99 = arith.select %eq3A_96, %iota3A, %broadcast_in_dim3A_98 : vector<1024x392xi1>, vector<1024x392xi32>
    %reduce_min3A_100 = arith.constant dense<2147483647> : vector<1024xi32>
    %reduce_min3A_101 = vector.multi_reduction <minsi>, %select_n3A_99, %reduce_min3A_100 [1] : vector<1024x392xi32> to vector<1024xi32>
    %broadcast_in_dim3A_102 = vector.shape_cast %reduce_min3A_101 : vector<1024xi32> to vector<1024x1xi32>
    %eq3A_103 = vector.broadcast %broadcast_in_dim3A_102 : vector<1024x1xi32> to vector<1024x392xi32>
    %eq3A_104 = arith.cmpi eq, %iota3A, %eq3A_103 : vector<1024x392xi32>
    %jit3A_105 = arith.constant 0xFF800000 : f32
    %broadcast_in_dim3A_106 = vector.broadcast %jit3A_105 : f32 to vector<1024x392xf32>
    %select_n3A_107 = arith.select %eq3A_104, %broadcast_in_dim3A_106, %select_n3A_91 : vector<1024x392xi1>, vector<1024x392xf32>
    %reduce_max3A_108 = arith.constant dense<0xFF800000> : vector<1024xf32>
    %reduce_max3A_109 = vector.multi_reduction <maximumf>, %select_n3A_107, %reduce_max3A_108 [1] : vector<1024x392xf32> to vector<1024xf32>
    %broadcast_in_dim3A_110 = vector.shape_cast %reduce_max3A_109 : vector<1024xf32> to vector<1024x1xf32>
    %eq3A_111 = vector.broadcast %broadcast_in_dim3A_110 : vector<1024x1xf32> to vector<1024x392xf32>
    %eq3A_112 = arith.cmpf oeq, %select_n3A_107, %eq3A_111 : vector<1024x392xf32>
    %jit3A_113 = arith.constant 2147483647 : i32
    %broadcast_in_dim3A_114 = vector.broadcast %jit3A_113 : i32 to vector<1024x392xi32>
    %select_n3A_115 = arith.select %eq3A_112, %iota3A, %broadcast_in_dim3A_114 : vector<1024x392xi1>, vector<1024x392xi32>
    %reduce_min3A_116 = arith.constant dense<2147483647> : vector<1024xi32>
    %reduce_min3A_117 = vector.multi_reduction <minsi>, %select_n3A_115, %reduce_min3A_116 [1] : vector<1024x392xi32> to vector<1024xi32>
    %broadcast_in_dim3A_118 = vector.shape_cast %reduce_min3A_117 : vector<1024xi32> to vector<1024x1xi32>
    %eq3A_119 = vector.broadcast %broadcast_in_dim3A_118 : vector<1024x1xi32> to vector<1024x392xi32>
    %eq3A_120 = arith.cmpi eq, %iota3A, %eq3A_119 : vector<1024x392xi32>
    %jit3A_121 = arith.constant 0xFF800000 : f32
    %broadcast_in_dim3A_122 = vector.broadcast %jit3A_121 : f32 to vector<1024x392xf32>
    %select_n3A_123 = arith.select %eq3A_120, %broadcast_in_dim3A_122, %select_n3A_107 : vector<1024x392xi1>, vector<1024x392xf32>
    %reduce_max3A_124 = arith.constant dense<0xFF800000> : vector<1024xf32>
    %reduce_max3A_125 = vector.multi_reduction <maximumf>, %select_n3A_123, %reduce_max3A_124 [1] : vector<1024x392xf32> to vector<1024xf32>
    %broadcast_in_dim3A_126 = vector.shape_cast %reduce_max3A_125 : vector<1024xf32> to vector<1024x1xf32>
    %eq3A_127 = vector.broadcast %broadcast_in_dim3A_126 : vector<1024x1xf32> to vector<1024x392xf32>
    %eq3A_128 = arith.cmpf oeq, %select_n3A_123, %eq3A_127 : vector<1024x392xf32>
    %jit3A_129 = arith.constant 2147483647 : i32
    %broadcast_in_dim3A_130 = vector.broadcast %jit3A_129 : i32 to vector<1024x392xi32>
    %select_n3A_131 = arith.select %eq3A_128, %iota3A, %broadcast_in_dim3A_130 : vector<1024x392xi1>, vector<1024x392xi32>
    %reduce_min3A_132 = arith.constant dense<2147483647> : vector<1024xi32>
    %reduce_min3A_133 = vector.multi_reduction <minsi>, %select_n3A_131, %reduce_min3A_132 [1] : vector<1024x392xi32> to vector<1024xi32>
    %broadcast_in_dim3A_134 = vector.shape_cast %reduce_min3A_133 : vector<1024xi32> to vector<1024x1xi32>
    %eq3A_135 = vector.broadcast %broadcast_in_dim3A_134 : vector<1024x1xi32> to vector<1024x392xi32>
    %eq3A_136 = arith.cmpi eq, %iota3A, %eq3A_135 : vector<1024x392xi32>
    %jit3A_137 = arith.constant 0xFF800000 : f32
    %broadcast_in_dim3A_138 = vector.broadcast %jit3A_137 : f32 to vector<1024x392xf32>
    %select_n3A_139 = arith.select %eq3A_136, %broadcast_in_dim3A_138, %select_n3A_123 : vector<1024x392xi1>, vector<1024x392xf32>
    %reduce_max3A_140 = arith.constant dense<0xFF800000> : vector<1024xf32>
    %reduce_max3A_141 = vector.multi_reduction <maximumf>, %select_n3A_139, %reduce_max3A_140 [1] : vector<1024x392xf32> to vector<1024xf32>
    %broadcast_in_dim3A_142 = vector.shape_cast %reduce_max3A_141 : vector<1024xf32> to vector<1024x1xf32>
    %eq3A_143 = vector.broadcast %broadcast_in_dim3A_142 : vector<1024x1xf32> to vector<1024x392xf32>
    %eq3A_144 = arith.cmpf oeq, %select_n3A_139, %eq3A_143 : vector<1024x392xf32>
    %jit3A_145 = arith.constant 2147483647 : i32
    %broadcast_in_dim3A_146 = vector.broadcast %jit3A_145 : i32 to vector<1024x392xi32>
    %select_n3A_147 = arith.select %eq3A_144, %iota3A, %broadcast_in_dim3A_146 : vector<1024x392xi1>, vector<1024x392xi32>
    %reduce_min3A_148 = arith.constant dense<2147483647> : vector<1024xi32>
    %reduce_min3A_149 = vector.multi_reduction <minsi>, %select_n3A_147, %reduce_min3A_148 [1] : vector<1024x392xi32> to vector<1024xi32>
    %broadcast_in_dim3A_150 = vector.shape_cast %reduce_min3A_149 : vector<1024xi32> to vector<1024x1xi32>
    %concatenate3A = tpu.concatenate %broadcast_in_dim3A_6, %broadcast_in_dim3A_22, %broadcast_in_dim3A_38, %broadcast_in_dim3A_54, %broadcast_in_dim3A_70, %broadcast_in_dim3A_86, %broadcast_in_dim3A_102, %broadcast_in_dim3A_118, %broadcast_in_dim3A_134, %broadcast_in_dim3A_150 in 1 : vector<1024x1xi32>, vector<1024x1xi32>, vector<1024x1xi32>, vector<1024x1xi32>, vector<1024x1xi32>, vector<1024x1xi32>, vector<1024x1xi32>, vector<1024x1xi32>, vector<1024x1xi32>, vector<1024x1xi32> -> vector<1024x10xi32>
    %swap3A = arith.constant 0 : index
    %swap3A_151 = arith.constant 0 : index
    %swap3A_152 = vector.load %arg1[%swap3A, %swap3A_151] : memref<1024x10xi32, #tpu.memory_space<vmem>>, vector<1024x10xi32>
    tpu.vector_store %arg1[%swap3A, %swap3A_151], %concatenate3A {strides = array<i32>} : memref<1024x10xi32, #tpu.memory_space<vmem>>, vector<1024x10xi32>,
    %mul3A = arith.constant 1024 : i32
    %mul3A_153 = vector.broadcast %mul3A : i32 to vector<1024x10xi32>
    %mul3A_154 = arith.muli %concatenate3A, %mul3A_153 : vector<1024x10xi32>
    %iota3A_155 = tpu.iota {dimensions = array<i32: 0>} : vector<1024x10xi32>
    %add3A = arith.addi %mul3A_154, %iota3A_155 : vector<1024x10xi32>
    %swap3A_156 = arith.constant 0 : index
    %swap3A_157 = arith.constant 0 : index
    %swap3A_158 = vector.load %arg2[%swap3A_156, %swap3A_157] : memref<1024x10xi32, #tpu.memory_space<vmem>>, vector<1024x10xi32>
    tpu.vector_store %arg2[%swap3A_156, %swap3A_157], %add3A {strides = array<i32>} : memref<1024x10xi32, #tpu.memory_space<vmem>>, vector<1024x10xi32>,
    return
  }
}

module attributes {stable_mosaic.version = 14 : i64} {
  func.func @_final_sel_body(%arg0: i32, %arg1: memref<256x2560xf32, #tpu.memory_space<vmem>>, %arg2: memref<256x10xi32, #tpu.memory_space<vmem>>, %arg3: memref<256x10xf32, #tpu.memory_space<vmem>>, %arg4: memref<256x10xi32, #tpu.memory_space<vmem>>) attributes {dimension_semantics = [#tpu.dimension_semantics<arbitrary>], iteration_bounds = array<i64: 4>, scalar_prefetch = 0 : i64, scratch_operands = 0 : i64, tpu.core_type = #tpu.core_type<tc>, window_params = [{transform_indices = @transform_0, window_bounds = array<i64: 256, 2560>}, {transform_indices = @transform_1, window_bounds = array<i64: 256, 10>}, {transform_indices = @transform_2, window_bounds = array<i64: 256, 10>}, {transform_indices = @transform_3, window_bounds = array<i64: 256, 10>}]} {
    %get3A = arith.constant 0 : index
    %get3A_0 = arith.constant 0 : index
    %get3A_1 = vector.load %arg2[%get3A, %get3A_0] : memref<256x10xi32, #tpu.memory_space<vmem>>, vector<256x10xi32>
    %mul3A = arith.constant 256 : i32
    %mul3A_2 = vector.broadcast %mul3A : i32 to vector<256x10xi32>
    %mul3A_3 = arith.muli %get3A_1, %mul3A_2 : vector<256x10xi32>
    %broadcast_in_dim3A = vector.shape_cast %mul3A_3 : vector<256x10xi32> to vector<256x10x1xi32>
    %broadcast_in_dim3A_4 = vector.broadcast %broadcast_in_dim3A : vector<256x10x1xi32> to vector<256x10x256xi32>
    %iota3A = tpu.iota {dimensions = array<i32: 2>} : vector<256x10x256xi32>
    %add3A = arith.addi %broadcast_in_dim3A_4, %iota3A : vector<256x10x256xi32>
    %reshape3A = vector.shape_cast %add3A : vector<256x10x256xi32> to vector<256x2560xi32>
    %get3A_5 = arith.constant 0 : index
    %get3A_6 = arith.constant 0 : index
    %get3A_7 = vector.load %arg1[%get3A_5, %get3A_6] : memref<256x2560xf32, #tpu.memory_space<vmem>>, vector<256x2560xf32>
    %lt3A = arith.constant 100000 : i32
    %lt3A_8 = vector.broadcast %lt3A : i32 to vector<256x2560xi32>
    %lt3A_9 = arith.cmpi slt, %reshape3A, %lt3A_8 : vector<256x2560xi32>
    %jit3A = arith.constant 0xFF800000 : f32
    %broadcast_in_dim3A_10 = vector.broadcast %jit3A : f32 to vector<256x2560xf32>
    %select_n3A = arith.select %lt3A_9, %get3A_7, %broadcast_in_dim3A_10 : vector<256x2560xi1>, vector<256x2560xf32>
    %reduce_max3A = arith.constant dense<0xFF800000> : vector<256xf32>
    %reduce_max3A_11 = vector.multi_reduction <maximumf>, %select_n3A, %reduce_max3A [1] : vector<256x2560xf32> to vector<256xf32>
    %broadcast_in_dim3A_12 = vector.shape_cast %reduce_max3A_11 : vector<256xf32> to vector<256x1xf32>
    %eq3A = vector.broadcast %broadcast_in_dim3A_12 : vector<256x1xf32> to vector<256x2560xf32>
    %eq3A_13 = arith.cmpf oeq, %select_n3A, %eq3A : vector<256x2560xf32>
    %jit3A_14 = arith.constant 2147483647 : i32
    %broadcast_in_dim3A_15 = vector.broadcast %jit3A_14 : i32 to vector<256x2560xi32>
    %select_n3A_16 = arith.select %eq3A_13, %reshape3A, %broadcast_in_dim3A_15 : vector<256x2560xi1>, vector<256x2560xi32>
    %reduce_min3A = arith.constant dense<2147483647> : vector<256xi32>
    %reduce_min3A_17 = vector.multi_reduction <minsi>, %select_n3A_16, %reduce_min3A [1] : vector<256x2560xi32> to vector<256xi32>
    %broadcast_in_dim3A_18 = vector.shape_cast %reduce_min3A_17 : vector<256xi32> to vector<256x1xi32>
    %eq3A_19 = vector.broadcast %broadcast_in_dim3A_18 : vector<256x1xi32> to vector<256x2560xi32>
    %eq3A_20 = arith.cmpi eq, %reshape3A, %eq3A_19 : vector<256x2560xi32>
    %jit3A_21 = arith.constant 0xFF800000 : f32
    %broadcast_in_dim3A_22 = vector.broadcast %jit3A_21 : f32 to vector<256x2560xf32>
    %select_n3A_23 = arith.select %eq3A_20, %broadcast_in_dim3A_22, %select_n3A : vector<256x2560xi1>, vector<256x2560xf32>
    %reduce_max3A_24 = arith.constant dense<0xFF800000> : vector<256xf32>
    %reduce_max3A_25 = vector.multi_reduction <maximumf>, %select_n3A_23, %reduce_max3A_24 [1] : vector<256x2560xf32> to vector<256xf32>
    %broadcast_in_dim3A_26 = vector.shape_cast %reduce_max3A_25 : vector<256xf32> to vector<256x1xf32>
    %eq3A_27 = vector.broadcast %broadcast_in_dim3A_26 : vector<256x1xf32> to vector<256x2560xf32>
    %eq3A_28 = arith.cmpf oeq, %select_n3A_23, %eq3A_27 : vector<256x2560xf32>
    %jit3A_29 = arith.constant 2147483647 : i32
    %broadcast_in_dim3A_30 = vector.broadcast %jit3A_29 : i32 to vector<256x2560xi32>
    %select_n3A_31 = arith.select %eq3A_28, %reshape3A, %broadcast_in_dim3A_30 : vector<256x2560xi1>, vector<256x2560xi32>
    %reduce_min3A_32 = arith.constant dense<2147483647> : vector<256xi32>
    %reduce_min3A_33 = vector.multi_reduction <minsi>, %select_n3A_31, %reduce_min3A_32 [1] : vector<256x2560xi32> to vector<256xi32>
    %broadcast_in_dim3A_34 = vector.shape_cast %reduce_min3A_33 : vector<256xi32> to vector<256x1xi32>
    %eq3A_35 = vector.broadcast %broadcast_in_dim3A_34 : vector<256x1xi32> to vector<256x2560xi32>
    %eq3A_36 = arith.cmpi eq, %reshape3A, %eq3A_35 : vector<256x2560xi32>
    %jit3A_37 = arith.constant 0xFF800000 : f32
    %broadcast_in_dim3A_38 = vector.broadcast %jit3A_37 : f32 to vector<256x2560xf32>
    %select_n3A_39 = arith.select %eq3A_36, %broadcast_in_dim3A_38, %select_n3A_23 : vector<256x2560xi1>, vector<256x2560xf32>
    %reduce_max3A_40 = arith.constant dense<0xFF800000> : vector<256xf32>
    %reduce_max3A_41 = vector.multi_reduction <maximumf>, %select_n3A_39, %reduce_max3A_40 [1] : vector<256x2560xf32> to vector<256xf32>
    %broadcast_in_dim3A_42 = vector.shape_cast %reduce_max3A_41 : vector<256xf32> to vector<256x1xf32>
    %eq3A_43 = vector.broadcast %broadcast_in_dim3A_42 : vector<256x1xf32> to vector<256x2560xf32>
    %eq3A_44 = arith.cmpf oeq, %select_n3A_39, %eq3A_43 : vector<256x2560xf32>
    %jit3A_45 = arith.constant 2147483647 : i32
    %broadcast_in_dim3A_46 = vector.broadcast %jit3A_45 : i32 to vector<256x2560xi32>
    %select_n3A_47 = arith.select %eq3A_44, %reshape3A, %broadcast_in_dim3A_46 : vector<256x2560xi1>, vector<256x2560xi32>
    %reduce_min3A_48 = arith.constant dense<2147483647> : vector<256xi32>
    %reduce_min3A_49 = vector.multi_reduction <minsi>, %select_n3A_47, %reduce_min3A_48 [1] : vector<256x2560xi32> to vector<256xi32>
    %broadcast_in_dim3A_50 = vector.shape_cast %reduce_min3A_49 : vector<256xi32> to vector<256x1xi32>
    %eq3A_51 = vector.broadcast %broadcast_in_dim3A_50 : vector<256x1xi32> to vector<256x2560xi32>
    %eq3A_52 = arith.cmpi eq, %reshape3A, %eq3A_51 : vector<256x2560xi32>
    %jit3A_53 = arith.constant 0xFF800000 : f32
    %broadcast_in_dim3A_54 = vector.broadcast %jit3A_53 : f32 to vector<256x2560xf32>
    %select_n3A_55 = arith.select %eq3A_52, %broadcast_in_dim3A_54, %select_n3A_39 : vector<256x2560xi1>, vector<256x2560xf32>
    %reduce_max3A_56 = arith.constant dense<0xFF800000> : vector<256xf32>
    %reduce_max3A_57 = vector.multi_reduction <maximumf>, %select_n3A_55, %reduce_max3A_56 [1] : vector<256x2560xf32> to vector<256xf32>
    %broadcast_in_dim3A_58 = vector.shape_cast %reduce_max3A_57 : vector<256xf32> to vector<256x1xf32>
    %eq3A_59 = vector.broadcast %broadcast_in_dim3A_58 : vector<256x1xf32> to vector<256x2560xf32>
    %eq3A_60 = arith.cmpf oeq, %select_n3A_55, %eq3A_59 : vector<256x2560xf32>
    %jit3A_61 = arith.constant 2147483647 : i32
    %broadcast_in_dim3A_62 = vector.broadcast %jit3A_61 : i32 to vector<256x2560xi32>
    %select_n3A_63 = arith.select %eq3A_60, %reshape3A, %broadcast_in_dim3A_62 : vector<256x2560xi1>, vector<256x2560xi32>
    %reduce_min3A_64 = arith.constant dense<2147483647> : vector<256xi32>
    %reduce_min3A_65 = vector.multi_reduction <minsi>, %select_n3A_63, %reduce_min3A_64 [1] : vector<256x2560xi32> to vector<256xi32>
    %broadcast_in_dim3A_66 = vector.shape_cast %reduce_min3A_65 : vector<256xi32> to vector<256x1xi32>
    %eq3A_67 = vector.broadcast %broadcast_in_dim3A_66 : vector<256x1xi32> to vector<256x2560xi32>
    %eq3A_68 = arith.cmpi eq, %reshape3A, %eq3A_67 : vector<256x2560xi32>
    %jit3A_69 = arith.constant 0xFF800000 : f32
    %broadcast_in_dim3A_70 = vector.broadcast %jit3A_69 : f32 to vector<256x2560xf32>
    %select_n3A_71 = arith.select %eq3A_68, %broadcast_in_dim3A_70, %select_n3A_55 : vector<256x2560xi1>, vector<256x2560xf32>
    %reduce_max3A_72 = arith.constant dense<0xFF800000> : vector<256xf32>
    %reduce_max3A_73 = vector.multi_reduction <maximumf>, %select_n3A_71, %reduce_max3A_72 [1] : vector<256x2560xf32> to vector<256xf32>
    %broadcast_in_dim3A_74 = vector.shape_cast %reduce_max3A_73 : vector<256xf32> to vector<256x1xf32>
    %eq3A_75 = vector.broadcast %broadcast_in_dim3A_74 : vector<256x1xf32> to vector<256x2560xf32>
    %eq3A_76 = arith.cmpf oeq, %select_n3A_71, %eq3A_75 : vector<256x2560xf32>
    %jit3A_77 = arith.constant 2147483647 : i32
    %broadcast_in_dim3A_78 = vector.broadcast %jit3A_77 : i32 to vector<256x2560xi32>
    %select_n3A_79 = arith.select %eq3A_76, %reshape3A, %broadcast_in_dim3A_78 : vector<256x2560xi1>, vector<256x2560xi32>
    %reduce_min3A_80 = arith.constant dense<2147483647> : vector<256xi32>
    %reduce_min3A_81 = vector.multi_reduction <minsi>, %select_n3A_79, %reduce_min3A_80 [1] : vector<256x2560xi32> to vector<256xi32>
    %broadcast_in_dim3A_82 = vector.shape_cast %reduce_min3A_81 : vector<256xi32> to vector<256x1xi32>
    %eq3A_83 = vector.broadcast %broadcast_in_dim3A_82 : vector<256x1xi32> to vector<256x2560xi32>
    %eq3A_84 = arith.cmpi eq, %reshape3A, %eq3A_83 : vector<256x2560xi32>
    %jit3A_85 = arith.constant 0xFF800000 : f32
    %broadcast_in_dim3A_86 = vector.broadcast %jit3A_85 : f32 to vector<256x2560xf32>
    %select_n3A_87 = arith.select %eq3A_84, %broadcast_in_dim3A_86, %select_n3A_71 : vector<256x2560xi1>, vector<256x2560xf32>
    %reduce_max3A_88 = arith.constant dense<0xFF800000> : vector<256xf32>
    %reduce_max3A_89 = vector.multi_reduction <maximumf>, %select_n3A_87, %reduce_max3A_88 [1] : vector<256x2560xf32> to vector<256xf32>
    %broadcast_in_dim3A_90 = vector.shape_cast %reduce_max3A_89 : vector<256xf32> to vector<256x1xf32>
    %eq3A_91 = vector.broadcast %broadcast_in_dim3A_90 : vector<256x1xf32> to vector<256x2560xf32>
    %eq3A_92 = arith.cmpf oeq, %select_n3A_87, %eq3A_91 : vector<256x2560xf32>
    %jit3A_93 = arith.constant 2147483647 : i32
    %broadcast_in_dim3A_94 = vector.broadcast %jit3A_93 : i32 to vector<256x2560xi32>
    %select_n3A_95 = arith.select %eq3A_92, %reshape3A, %broadcast_in_dim3A_94 : vector<256x2560xi1>, vector<256x2560xi32>
    %reduce_min3A_96 = arith.constant dense<2147483647> : vector<256xi32>
    %reduce_min3A_97 = vector.multi_reduction <minsi>, %select_n3A_95, %reduce_min3A_96 [1] : vector<256x2560xi32> to vector<256xi32>
    %broadcast_in_dim3A_98 = vector.shape_cast %reduce_min3A_97 : vector<256xi32> to vector<256x1xi32>
    %eq3A_99 = vector.broadcast %broadcast_in_dim3A_98 : vector<256x1xi32> to vector<256x2560xi32>
    %eq3A_100 = arith.cmpi eq, %reshape3A, %eq3A_99 : vector<256x2560xi32>
    %jit3A_101 = arith.constant 0xFF800000 : f32
    %broadcast_in_dim3A_102 = vector.broadcast %jit3A_101 : f32 to vector<256x2560xf32>
    %select_n3A_103 = arith.select %eq3A_100, %broadcast_in_dim3A_102, %select_n3A_87 : vector<256x2560xi1>, vector<256x2560xf32>
    %reduce_max3A_104 = arith.constant dense<0xFF800000> : vector<256xf32>
    %reduce_max3A_105 = vector.multi_reduction <maximumf>, %select_n3A_103, %reduce_max3A_104 [1] : vector<256x2560xf32> to vector<256xf32>
    %broadcast_in_dim3A_106 = vector.shape_cast %reduce_max3A_105 : vector<256xf32> to vector<256x1xf32>
    %eq3A_107 = vector.broadcast %broadcast_in_dim3A_106 : vector<256x1xf32> to vector<256x2560xf32>
    %eq3A_108 = arith.cmpf oeq, %select_n3A_103, %eq3A_107 : vector<256x2560xf32>
    %jit3A_109 = arith.constant 2147483647 : i32
    %broadcast_in_dim3A_110 = vector.broadcast %jit3A_109 : i32 to vector<256x2560xi32>
    %select_n3A_111 = arith.select %eq3A_108, %reshape3A, %broadcast_in_dim3A_110 : vector<256x2560xi1>, vector<256x2560xi32>
    %reduce_min3A_112 = arith.constant dense<2147483647> : vector<256xi32>
    %reduce_min3A_113 = vector.multi_reduction <minsi>, %select_n3A_111, %reduce_min3A_112 [1] : vector<256x2560xi32> to vector<256xi32>
    %broadcast_in_dim3A_114 = vector.shape_cast %reduce_min3A_113 : vector<256xi32> to vector<256x1xi32>
    %eq3A_115 = vector.broadcast %broadcast_in_dim3A_114 : vector<256x1xi32> to vector<256x2560xi32>
    %eq3A_116 = arith.cmpi eq, %reshape3A, %eq3A_115 : vector<256x2560xi32>
    %jit3A_117 = arith.constant 0xFF800000 : f32
    %broadcast_in_dim3A_118 = vector.broadcast %jit3A_117 : f32 to vector<256x2560xf32>
    %select_n3A_119 = arith.select %eq3A_116, %broadcast_in_dim3A_118, %select_n3A_103 : vector<256x2560xi1>, vector<256x2560xf32>
    %reduce_max3A_120 = arith.constant dense<0xFF800000> : vector<256xf32>
    %reduce_max3A_121 = vector.multi_reduction <maximumf>, %select_n3A_119, %reduce_max3A_120 [1] : vector<256x2560xf32> to vector<256xf32>
    %broadcast_in_dim3A_122 = vector.shape_cast %reduce_max3A_121 : vector<256xf32> to vector<256x1xf32>
    %eq3A_123 = vector.broadcast %broadcast_in_dim3A_122 : vector<256x1xf32> to vector<256x2560xf32>
    %eq3A_124 = arith.cmpf oeq, %select_n3A_119, %eq3A_123 : vector<256x2560xf32>
    %jit3A_125 = arith.constant 2147483647 : i32
    %broadcast_in_dim3A_126 = vector.broadcast %jit3A_125 : i32 to vector<256x2560xi32>
    %select_n3A_127 = arith.select %eq3A_124, %reshape3A, %broadcast_in_dim3A_126 : vector<256x2560xi1>, vector<256x2560xi32>
    %reduce_min3A_128 = arith.constant dense<2147483647> : vector<256xi32>
    %reduce_min3A_129 = vector.multi_reduction <minsi>, %select_n3A_127, %reduce_min3A_128 [1] : vector<256x2560xi32> to vector<256xi32>
    %broadcast_in_dim3A_130 = vector.shape_cast %reduce_min3A_129 : vector<256xi32> to vector<256x1xi32>
    %eq3A_131 = vector.broadcast %broadcast_in_dim3A_130 : vector<256x1xi32> to vector<256x2560xi32>
    %eq3A_132 = arith.cmpi eq, %reshape3A, %eq3A_131 : vector<256x2560xi32>
    %jit3A_133 = arith.constant 0xFF800000 : f32
    %broadcast_in_dim3A_134 = vector.broadcast %jit3A_133 : f32 to vector<256x2560xf32>
    %select_n3A_135 = arith.select %eq3A_132, %broadcast_in_dim3A_134, %select_n3A_119 : vector<256x2560xi1>, vector<256x2560xf32>
    %reduce_max3A_136 = arith.constant dense<0xFF800000> : vector<256xf32>
    %reduce_max3A_137 = vector.multi_reduction <maximumf>, %select_n3A_135, %reduce_max3A_136 [1] : vector<256x2560xf32> to vector<256xf32>
    %broadcast_in_dim3A_138 = vector.shape_cast %reduce_max3A_137 : vector<256xf32> to vector<256x1xf32>
    %eq3A_139 = vector.broadcast %broadcast_in_dim3A_138 : vector<256x1xf32> to vector<256x2560xf32>
    %eq3A_140 = arith.cmpf oeq, %select_n3A_135, %eq3A_139 : vector<256x2560xf32>
    %jit3A_141 = arith.constant 2147483647 : i32
    %broadcast_in_dim3A_142 = vector.broadcast %jit3A_141 : i32 to vector<256x2560xi32>
    %select_n3A_143 = arith.select %eq3A_140, %reshape3A, %broadcast_in_dim3A_142 : vector<256x2560xi1>, vector<256x2560xi32>
    %reduce_min3A_144 = arith.constant dense<2147483647> : vector<256xi32>
    %reduce_min3A_145 = vector.multi_reduction <minsi>, %select_n3A_143, %reduce_min3A_144 [1] : vector<256x2560xi32> to vector<256xi32>
    %broadcast_in_dim3A_146 = vector.shape_cast %reduce_min3A_145 : vector<256xi32> to vector<256x1xi32>
    %eq3A_147 = vector.broadcast %broadcast_in_dim3A_146 : vector<256x1xi32> to vector<256x2560xi32>
    %eq3A_148 = arith.cmpi eq, %reshape3A, %eq3A_147 : vector<256x2560xi32>
    %jit3A_149 = arith.constant 0xFF800000 : f32
    %broadcast_in_dim3A_150 = vector.broadcast %jit3A_149 : f32 to vector<256x2560xf32>
    %select_n3A_151 = arith.select %eq3A_148, %broadcast_in_dim3A_150, %select_n3A_135 : vector<256x2560xi1>, vector<256x2560xf32>
    %reduce_max3A_152 = arith.constant dense<0xFF800000> : vector<256xf32>
    %reduce_max3A_153 = vector.multi_reduction <maximumf>, %select_n3A_151, %reduce_max3A_152 [1] : vector<256x2560xf32> to vector<256xf32>
    %broadcast_in_dim3A_154 = vector.shape_cast %reduce_max3A_153 : vector<256xf32> to vector<256x1xf32>
    %eq3A_155 = vector.broadcast %broadcast_in_dim3A_154 : vector<256x1xf32> to vector<256x2560xf32>
    %eq3A_156 = arith.cmpf oeq, %select_n3A_151, %eq3A_155 : vector<256x2560xf32>
    %jit3A_157 = arith.constant 2147483647 : i32
    %broadcast_in_dim3A_158 = vector.broadcast %jit3A_157 : i32 to vector<256x2560xi32>
    %select_n3A_159 = arith.select %eq3A_156, %reshape3A, %broadcast_in_dim3A_158 : vector<256x2560xi1>, vector<256x2560xi32>
    %reduce_min3A_160 = arith.constant dense<2147483647> : vector<256xi32>
    %reduce_min3A_161 = vector.multi_reduction <minsi>, %select_n3A_159, %reduce_min3A_160 [1] : vector<256x2560xi32> to vector<256xi32>
    %broadcast_in_dim3A_162 = vector.shape_cast %reduce_min3A_161 : vector<256xi32> to vector<256x1xi32>
    %concatenate3A = tpu.concatenate %broadcast_in_dim3A_12, %broadcast_in_dim3A_26, %broadcast_in_dim3A_42, %broadcast_in_dim3A_58, %broadcast_in_dim3A_74, %broadcast_in_dim3A_90, %broadcast_in_dim3A_106, %broadcast_in_dim3A_122, %broadcast_in_dim3A_138, %broadcast_in_dim3A_154 in 1 : vector<256x1xf32>, vector<256x1xf32>, vector<256x1xf32>, vector<256x1xf32>, vector<256x1xf32>, vector<256x1xf32>, vector<256x1xf32>, vector<256x1xf32>, vector<256x1xf32>, vector<256x1xf32> -> vector<256x10xf32>
    %concatenate3A_163 = tpu.concatenate %broadcast_in_dim3A_18, %broadcast_in_dim3A_34, %broadcast_in_dim3A_50, %broadcast_in_dim3A_66, %broadcast_in_dim3A_82, %broadcast_in_dim3A_98, %broadcast_in_dim3A_114, %broadcast_in_dim3A_130, %broadcast_in_dim3A_146, %broadcast_in_dim3A_162 in 1 : vector<256x1xi32>, vector<256x1xi32>, vector<256x1xi32>, vector<256x1xi32>, vector<256x1xi32>, vector<256x1xi32>, vector<256x1xi32>, vector<256x1xi32>, vector<256x1xi32>, vector<256x1xi32> -> vector<256x10xi32>
    %reduce_max3A_164 = arith.constant dense<0xFF800000> : vector<256xf32>
    %reduce_max3A_165 = vector.multi_reduction <maximumf>, %concatenate3A, %reduce_max3A_164 [1] : vector<256x10xf32> to vector<256xf32>
    %broadcast_in_dim3A_166 = vector.shape_cast %reduce_max3A_165 : vector<256xf32> to vector<256x1xf32>
    %sub3A = vector.broadcast %broadcast_in_dim3A_166 : vector<256x1xf32> to vector<256x10xf32>
    %sub3A_167 = arith.subf %concatenate3A, %sub3A : vector<256x10xf32>
    %exp3A = math.exp %sub3A_167 : vector<256x10xf32>
    %reduce_sum3A = arith.constant dense<0.000000e+00> : vector<256xf32>
    %reduce_sum3A_168 = vector.multi_reduction <add>, %exp3A, %reduce_sum3A [1] : vector<256x10xf32> to vector<256xf32>
    %broadcast_in_dim3A_169 = vector.shape_cast %reduce_sum3A_168 : vector<256xf32> to vector<256x1xf32>
    %div3A = vector.broadcast %broadcast_in_dim3A_169 : vector<256x1xf32> to vector<256x10xf32>
    %div3A_170 = arith.divf %exp3A, %div3A : vector<256x10xf32>
    %swap3A = arith.constant 0 : index
    %swap3A_171 = arith.constant 0 : index
    %swap3A_172 = vector.load %arg3[%swap3A, %swap3A_171] : memref<256x10xf32, #tpu.memory_space<vmem>>, vector<256x10xf32>
    tpu.vector_store %arg3[%swap3A, %swap3A_171], %div3A_170 {strides = array<i32>} : memref<256x10xf32, #tpu.memory_space<vmem>>, vector<256x10xf32>,
    %swap3A_173 = arith.constant 0 : index
    %swap3A_174 = arith.constant 0 : index
    %swap3A_175 = vector.load %arg4[%swap3A_173, %swap3A_174] : memref<256x10xi32, #tpu.memory_space<vmem>>, vector<256x10xi32>
    tpu.vector_store %arg4[%swap3A_173, %swap3A_174], %concatenate3A_163 {strides = array<i32>} : memref<256x10xi32, #tpu.memory_space<vmem>>, vector<256x10xi32>,
    return
  }
  func.func @transform_0(%arg0: i32) -> (i32, i32) {
    %c0_i32 = arith.constant 0 : i32
    %c0_i32_0 = arith.constant 0 : i32
    return %arg0, %c0_i32 : i32, i32
  }
  func.func @transform_1(%arg0: i32) -> (i32, i32) {
    %c0_i32 = arith.constant 0 : i32
    %c0_i32_0 = arith.constant 0 : i32
    return %arg0, %c0_i32 : i32, i32
  }
  func.func @transform_2(%arg0: i32) -> (i32, i32) {
    %c0_i32 = arith.constant 0 : i32
    %c0_i32_0 = arith.constant 0 : i32
    return %arg0, %c0_i32 : i32, i32
  }
  func.func @transform_3(%arg0: i32) -> (i32, i32) {
    %c0_i32 = arith.constant 0 : i32
    %c0_i32_0 = arith.constant 0 : i32
    return %arg0, %c0_i32 : i32, i32
  }
}

module attributes {stable_mosaic.version = 14 : i64} {
  func.func @_combine_body(%arg0: i32, %arg1: memref<256x10x512xf32, #tpu.memory_space<vmem>>, %arg2: memref<256x10xf32, #tpu.memory_space<vmem>>, %arg3: memref<10x512xf32, #tpu.memory_space<vmem>>, %arg4: memref<1x10xf32, #tpu.memory_space<vmem>>, %arg5: memref<256x10xf32, #tpu.memory_space<vmem>>) attributes {dimension_semantics = [#tpu.dimension_semantics<arbitrary>], iteration_bounds = array<i64: 4>, scalar_prefetch = 0 : i64, scratch_operands = 0 : i64, tpu.core_type = #tpu.core_type<tc>, window_params = [{transform_indices = @transform_0, window_bounds = array<i64: 256, 10, 512>}, {transform_indices = @transform_1, window_bounds = array<i64: 256, 10>}, {pipeline_mode = #tpu.pipeline_mode<synchronous>, transform_indices = @transform_2, window_bounds = array<i64: 10, 512>}, {pipeline_mode = #tpu.pipeline_mode<synchronous>, transform_indices = @transform_3, window_bounds = array<i64: 1, 10>}, {transform_indices = @transform_4, window_bounds = array<i64: 256, 10>}]} {
    %get3A = arith.constant 0 : index
    %get3A_0 = arith.constant 0 : index
    %get3A_1 = arith.constant 0 : index
    %get3A_2 = vector.load %arg1[%get3A, %get3A_0, %get3A_1] : memref<256x10x512xf32, #tpu.memory_space<vmem>>, vector<256x10x512xf32>
    %get3A_3 = arith.constant 0 : index
    %get3A_4 = arith.constant 0 : index
    %get3A_5 = vector.load %arg2[%get3A_3, %get3A_4] : memref<256x10xf32, #tpu.memory_space<vmem>>, vector<256x10xf32>
    %broadcast_in_dim3A = vector.shape_cast %get3A_5 : vector<256x10xf32> to vector<256x10x1xf32>
    %mul3A = vector.broadcast %broadcast_in_dim3A : vector<256x10x1xf32> to vector<256x10x512xf32>
    %mul3A_6 = arith.mulf %get3A_2, %mul3A : vector<256x10x512xf32>
    %reduce_sum3A = arith.constant dense<0.000000e+00> : vector<256x512xf32>
    %reduce_sum3A_7 = vector.multi_reduction <add>, %mul3A_6, %reduce_sum3A [1] : vector<256x10x512xf32> to vector<256x512xf32>
    %get3A_8 = arith.constant 0 : index
    %get3A_9 = arith.constant 0 : index
    %get3A_10 = vector.load %arg3[%get3A_8, %get3A_9] : memref<10x512xf32, #tpu.memory_space<vmem>>, vector<10x512xf32>
    %dot_general3A = arith.constant dense<0.000000e+00> : vector<256x10xf32>
    %dot_general3A_11 = tpu.matmul %reduce_sum3A_7, %get3A_10, %dot_general3A {dimension_numbers = #tpu.dot_dimension_numbers<[1], [1], [0], [0], [0, 0, 1, 0], [], []>, transpose_lhs_hint = false} : vector<256x512xf32>, vector<10x512xf32>, vector<256x10xf32> -> vector<256x10xf32>
    %get3A_12 = arith.constant 0 : index
    %get3A_13 = arith.constant 0 : index
    %get3A_14 = vector.load %arg4[%get3A_12, %get3A_13] : memref<1x10xf32, #tpu.memory_space<vmem>>, vector<1x10xf32>
    %add3A = vector.broadcast %get3A_14 : vector<1x10xf32> to vector<256x10xf32>
    %add3A_15 = arith.addf %dot_general3A_11, %add3A : vector<256x10xf32>
    %swap3A = arith.constant 0 : index
    %swap3A_16 = arith.constant 0 : index
    %swap3A_17 = vector.load %arg5[%swap3A, %swap3A_16] : memref<256x10xf32, #tpu.memory_space<vmem>>, vector<256x10xf32>
    tpu.vector_store %arg5[%swap3A, %swap3A_16], %add3A_15 {strides = array<i32>} : memref<256x10xf32, #tpu.memory_space<vmem>>, vector<256x10xf32>,
    return
  }
  func.func @transform_0(%arg0: i32) -> (i32, i32, i32) {
    %c0_i32 = arith.constant 0 : i32
    %c0_i32_0 = arith.constant 0 : i32
    %c0_i32_1 = arith.constant 0 : i32
    return %arg0, %c0_i32, %c0_i32_0 : i32, i32, i32
  }
  func.func @transform_1(%arg0: i32) -> (i32, i32) {
    %c0_i32 = arith.constant 0 : i32
    %c0_i32_0 = arith.constant 0 : i32
    return %arg0, %c0_i32 : i32, i32
  }
  func.func @transform_2(%arg0: i32) -> (i32, i32) {
    %c0_i32 = arith.constant 0 : i32
    %c0_i32_0 = arith.constant 0 : i32
    %c0_i32_1 = arith.constant 0 : i32
    return %c0_i32, %c0_i32_0 : i32, i32
  }
  func.func @transform_3(%arg0: i32) -> (i32, i32) {
    %c0_i32 = arith.constant 0 : i32
    %c0_i32_0 = arith.constant 0 : i32
    %c0_i32_1 = arith.constant 0 : i32
    return %c0_i32, %c0_i32_0 : i32, i32
  }
  func.func @transform_4(%arg0: i32) -> (i32, i32) {
    %c0_i32 = arith.constant 0 : i32
    %c0_i32_0 = arith.constant 0 : i32
    return %arg0, %c0_i32 : i32, i32
  }
}

</mosaic_0001>

<sc_bundles>
// kernel: kernel.11.cloned.1.call-start
scs
__scs_entry_jumppad:
0x0: {  	(pc) =	sbr.rel $0x88, $3  }
0x1: {  	(tag) =	ssettag $0x0;
	lr =	simm.s32 $0x1  }
0x2: {  	[smem:$0x3F9C] =	sst lr;
	_ =	strace $0xD0000000  }
0x3: {  	_ = 	snop  }
0x4: {  	_ = 	snop  }
0x5: {  	_ = 	snop  }
0x6: {  	_ = 	snop  }
0x7: {  	_ = 	snop  }
__scs_overlays_trampoline_lowered:
0x8: {  	[smem:$0x3FAB] =	sst s0  }
0x9: {  	[smem:$0x3FAC] =	sst s1  }
0xa: {  	[smem:$0x3FAD] =	sst s2  }
0xb: {  	[smem:$0x3FAE] =	sst s3  }
0xc: {  	[smem:$0x3FAF] =	sst s4  }
0xd: {  	[smem:$0x3FB0] =	sst s5  }
0xe: {  	[smem:$0x3FB1] =	sst s6  }
0xf: {  	[smem:$0x3FB2] =	sst s7  }
0x10: {  	[smem:$0x3FB3] =	sst s8  }
0x11: {  	[smem:$0x3FB4] =	sst s9;
	s0 =	simm.s32 @!p0 $0x0  }
0x12: {  	s1 =	sld [smem:$0x3F9A];
	s0 =	simm.s32 @p0 $0x1  }
0x13: {  	[smem:$0x3FB5] =	sst s0;
	s0 =	simm.s32 @!p1 $0x0  }
0x14: {  	s2 =	sld [smem:$0x3F99];
	s0 =	simm.s32 @p1 $0x1  }
0x15: {  	[smem:$0x3FB6] =	sst s0;
	s0 =	simm.s32 @!p2 $0x0  }
0x16: {  	s3 =	sld [smem:$0x3FDB];
	s0 =	simm.s32 @p2 $0x1  }
0x17: {  	s4 =	simm.s32 $0x1BF5;
	[smem:$0x3FB8] =	sst s0  }
0x18: {  	s0 =	sld [smem:$0x3F9B];
	_ =	swait.ge [sflag:s4], $0x0  }
0x19: {  	s7 =	sld [smem:$0x3F9C]  }
0x1a: {  	s8 =	sadd.s32 $0xFFFFE003, lr  }
0x1b: {  	s9 =	sadd.s32 $0xFFFFFEF7, lr;
	s5 =	simm.s32 $0xFFFFFFFF;
	p2 =	slt.u32 s8, $0xFFFFF086  }
0x1c: {  	p1 =	slt.u32 s9, $0xF7A;
	s5 =	simm.s32 @!p2 $0x0  }
0x1d: {  	s5 =	simm.s32 @p1 $0x1;
	p0 =	seq.s32 s7, s2  }
0x1e: {  	s7 =	smul.u32 @!p0 $0xF7A, s2;
	p2 =	seq.s32 @!p0 s5, $0x0  }
0x1f: {  	s9 =	smul.u32 $0xF7A, s1;
	s8 =	simm.s32 @!p0 $0x1BF5;
	p2 =	por !p2, p0  }
0x20: {  	[sflag:s8] =	ssyncset.s32 @!p0 $0xFFFFF086;
	s6 =	sadd.s32 @!p0 s3, s7;
	s7 =	simm.s32 @!p0 $0x108  }
0x21: {  	s3 =	sadd.s32 s3, s9;
	s6 =	sadd.s32 @!p0 $0x88, s6;
	s7 =	simm.s32 @p2 $0x1082  }
0x22: {  	[simem:s7], [sflag:s8] =	dma.local @!p0 [hbm:s6], $0xF7A  }
0x23: {  	s9 =	sor.u32 $0xD0000000, s2;
	s6 =	simm.s32 $0x108;
	_ =	swait.ge @!p0 [sflag:s8], $0x0  }
0x24: {  	s3 =	sadd.s32 $0x88, s3;
	s6 =	simm.s32 @!p1 $0x1082;
	[sflag:s4] =	ssyncset.s32 $0xFFFFF086  }
0x25: {  	[simem:s6], [sflag:s4] =	dma.local [hbm:s3], $0xF7A  }
0x26: {  	[smem:$0x3F9C] =	sst s1;
	(tag) =	ssettag s2;
	_ =	strace s9  }
0x27: {  	s1 =	sld [smem:$0x3FAC]  }
0x28: {  	s2 =	sld [smem:$0x3FAD]  }
0x29: {  	s4 =	sld [smem:$0x3FAF]  }
0x2a: {  	p0 =	seq.s32 s5, $0x0;
	s5 =	sld [smem:$0x3FB0]  }
0x2b: {  	s6 =	sld [smem:$0x3FB1]  }
0x2c: {  	s7 =	sld [smem:$0x3FB2]  }
0x2d: {  	s3 =	simm.s32 $0x108;
	s8 =	sld [smem:$0x3FB3]  }
0x2e: {  	s3 =	simm.s32 @!p0 $0x1082;
	s9 =	sld [smem:$0x3FB4]  }
0x2f: {  	lr =	sadd.s32 s0, s3;
	s0 =	sld [smem:$0x3FAB]  }
0x30: {  	s3 =	sld [smem:$0x3FAE]  }
0x31: {  	[smem:$0x3FB7] =	sst s10  }
0x32: {  	s10 =	sld [smem:$0x3FB5];
	_ =	sdelay $0x3  }
0x33: {  	p0 =	seq.s32 s10, $0x1;
	s10 =	sld [smem:$0x3FB7];
	_ =	sdelay $0x3  }
0x34: {  	[smem:$0x3FB7] =	sst s10  }
0x35: {  	s10 =	sld [smem:$0x3FB6];
	_ =	sdelay $0x3  }
0x36: {  	p1 =	seq.s32 s10, $0x1;
	s10 =	sld [smem:$0x3FB7];
	_ =	sdelay $0x3  }
0x37: {  	[smem:$0x3FB7] =	sst s10  }
0x38: {  	s10 =	sld [smem:$0x3FB8]  }
0x39: {  	_ = 	snop;
	(pc) =	sbr.ind lr, $3  }
0x3a: {  	_ = 	snop  }
0x3b: {  	_ = 	snop  }
0x3c: {  	p2 =	seq.s32 s10, $0x1;
	s10 =	sld [smem:$0x3FB7]  }
0x3d: {  	_ =	shalt  }
0x3e: {  	_ =	shalt  }
0x3f: {  	_ =	shalt  }
0x40: {  	_ =	shalt  }
0x41: {  	_ =	shalt  }
0x42: {  	_ =	shalt  }
0x43: {  	_ =	shalt  }
0x44: {  	_ =	shalt  }
0x45: {  	_ =	shalt  }
0x46: {  	_ =	shalt  }
0x47: {  	_ =	shalt  }
0x48: {  	_ =	shalt  }
0x49: {  	_ =	shalt  }
0x4a: {  	_ =	shalt  }
0x4b: {  	_ =	shalt  }
0x4c: {  	_ =	shalt  }
0x4d: {  	_ =	shalt  }
0x4e: {  	_ =	shalt  }
0x4f: {  	_ =	shalt  }
0x50: {  	_ =	shalt  }
0x51: {  	_ =	shalt  }
0x52: {  	_ =	shalt  }
0x53: {  	_ =	shalt  }
0x54: {  	_ =	shalt  }
0x55: {  	_ =	shalt  }
0x56: {  	_ =	shalt  }
0x57: {  	_ =	shalt  }
0x58: {  	_ =	shalt  }
0x59: {  	_ =	shalt  }
0x5a: {  	_ =	shalt  }
0x5b: {  	_ =	shalt  }
0x5c: {  	_ =	shalt  }
0x5d: {  	_ =	shalt  }
0x5e: {  	_ =	shalt  }
0x5f: {  	_ =	shalt  }
0x60: {  	_ =	shalt  }
0x61: {  	_ =	shalt  }
0x62: {  	_ =	shalt  }
0x63: {  	_ =	shalt  }
0x64: {  	_ =	shalt  }
0x65: {  	_ =	shalt  }
0x66: {  	_ =	shalt  }
0x67: {  	_ =	shalt  }
0x68: {  	_ =	shalt  }
0x69: {  	_ =	shalt  }
0x6a: {  	_ =	shalt  }
0x6b: {  	_ =	shalt  }
0x6c: {  	_ =	shalt  }
0x6d: {  	_ =	shalt  }
0x6e: {  	_ =	shalt  }
0x6f: {  	_ =	shalt  }
0x70: {  	_ =	shalt  }
0x71: {  	_ =	shalt  }
0x72: {  	_ =	shalt  }
0x73: {  	_ =	shalt  }
0x74: {  	_ =	shalt  }
0x75: {  	_ =	shalt  }
0x76: {  	_ =	shalt  }
0x77: {  	_ =	shalt  }
0x78: {  	_ =	shalt  }
0x79: {  	_ =	shalt  }
0x7a: {  	_ =	shalt  }
0x7b: {  	_ =	shalt  }
0x7c: {  	_ =	shalt  }
0x7d: {  	_ =	shalt  }
0x7e: {  	_ =	shalt  }
0x7f: {  	_ =	shalt  }
0x80: {  	_ =	shalt  }
0x81: {  	_ =	shalt  }
0x82: {  	_ =	shalt  }
0x83: {  	_ =	shalt  }
0x84: {  	_ =	shalt  }
0x85: {  	_ =	shalt  }
0x86: {  	_ =	shalt  }
0x87: {  	_ =	shalt  }
.Lfunc_end0:
.L_simem_size_0:
called_computation.1_lowered:
.L_overlay_start_0:
0x88: {  	s2 =	sld [smem:$0x3FD9]  }
0x89: {  	s3 =	sld [smem:$0x3FFE];
	_ =	sdelay $0x1  }
0x8a: {  	s1 =	srdreg.scid  }
0x8b: {  	s0 =	sand.u32 $0x1, s1  }
0x8c: {  	s17 =	sshll.u32 s0, $0xA;
	s2 =	sadd.s32 s3, s2  }
0x8d: {  	s2 =	sadd.s32 s2, s17  }
0x8e: {  	[smem:$0x3FC3] =	sst s2  }
0x8f: {  	_ = 	snop  }
0x90: {  	s2 =	sld [smem:$0x3FC7]  }
0x91: {  	s18 =	sld [smem:$0x3FD0];
	(tm) =	ssettm $0x1  }
0x92: {  	s4 =	sld [smem:$0x3FFB];
	_ =	sdelay $0x3  }
0x93: {  	_ =	strace s4  }
0x94: {  	s4 =	sld [smem:$0x3FFC];
	_ =	sdelay $0x3  }
0x95: {  	_ =	strace s4  }
0x96: {  	s4 =	sld [smem:$0x3FFD];
	_ =	sdelay $0x3  }
0x97: {  	_ =	strace s4  }
0x98: {  	_ =	strace $0x8FFFFFFF  }
0x99: {  	s19 =	sld [smem:$0x3FDB];
	_ =	sdelay $0x1  }
0x9a: {  	s5 =	simm.s32 $_scs_section_size  }
0x9b: {  	s6 =	simm.s32 $_size__tile_overlayer_lowered;
	s7 =	simm.s32 $_tile_overlayer_lowered  }
0x9c: {  	s22 =	simm.s32 $0x1BFF;
	s21 =	sshll.u32 s7, $0x1;
	s4 =	sadd.s32 s5, s19  }
0x9d: {  	s8 =	simm.s32 $0x0;
	s20 =	sshll.u32 s6, $0x1;
	s6 =	sadd.s32 s21, s4  }
0x9e: {  	[timem:s8], [sflag:s22] =	dma.local [hbm:s6], s20  }
0x9f: {  	_ =	swait.ge [sflag:s22], s20  }
0xa0: {  	s5 =	ssub.s32 $0x0, s20;
	[sflag:s22] =	ssyncset.done $0x0  }
0xa1: {  	[sflag:s22] =	ssyncadd.s32 s5;
	_ =	sdelay $0x1  }
0xa2: {  	s23 =	simm.s32 $0x1B8B  }
0xa3: {  	_ =	swait.ge [sflag:s23], $0x1  }
0xa4: {  	[sflag:s23] =	ssyncset.done $0x0  }
0xa5: {  	s25 =	simm.s32 $0x1B8E;
	s24 =	sld [smem:$0x3FFE];
	[sflag:s23] =	ssyncadd.s32 $0xFFFFFFFF  }
0xa6: {  	s26 =	simm.s32 $execute0_lowered;
	[smem:$0x3FD2] =	sst s25  }
0xa7: {  	s6 =	sshll.u32 s26, $0x1;
	_ =	strace $0x80000049;
	[dreg:$0x1] =	wrdreg $0xFFFFFFFF  }
0xa8: {  	s28 =	simm.s32 $_size_execute0_lowered;
	s4 =	sadd.s32 s4, s6;
	[dreg:$0x0] =	wrdreg $0x0  }
0xa9: {  	s6 =	sshll.u32 s28, $0x1;
	[dreg:$0x2] =	wrdreg s4  }
0xaa: {  	[dreg:$0x3] =	wrdreg s6  }
0xab: {  	[dreg:$0x4] =	wrdreg $0xC0  }
0xac: {  	_ =	task [dreg:s8], $0x5FFFF  }
0xad: {  	[dreg:$0x1] =	wrdreg $0xFFFFFFFF  }
0xae: {  	[dreg:$0x0] =	wrdreg $0x60  }
0xaf: {  	[dreg:$0x2] =	wrdreg s2  }
0xb0: {  	[dreg:$0x3] =	wrdreg s18  }
0xb1: {  	[dreg:$0x4] =	wrdreg s24  }
0xb2: {  	[dreg:$0x5] =	wrdreg $0x9  }
0xb3: {  	_ =	task.clear_ibuf [dreg:s8], $0x6FFFF;
	_ =	strace $0x90000049  }
0xb4: {  	s29 =	simm.s32 $0x9;
	_ =	strace $0x8000004B  }
0xb5: {  	_ =	swait.ge [sflag:s29], $0x1  }
0xb6: {  	[sflag:s29] =	ssyncadd.s32 $0xFFFFFFFF  }
0xb7: {  	_ =	strace $0x9000004B  }
0xb8: {  	_ =	sfence  }
0xb9: {  	s30 =	sld [smem:$0x0];
	_ =	sdelay $0x2  }
0xba: {  	s31 =	sshll.u32 s1, $0xD;
	s1 =	sshrl.u32 s1, $0x2  }
0xbb: {  	s3 =	sand.u32 $0x4000, s31;
	s1 =	sadd.s32 s1, s30  }
0xbc: {  	s0 =	sor.u32 s3, s0;
	s1 =	sshll.u32 s1, $0x11  }
0xbd: {  	s0 =	sor.u32 s1, s0  }
0xbe: {  	s0 =	sadd.s32 $0x8F2B, s0  }
0xbf: {  	[sflag:s0] =	ssyncadd.remote.s32 $0x1  }
0xc0: {  	_ =	sfence.sel $0xFFFF  }
0xc1: {  	[dreg:$0x0] =	wrdreg $0xFFFFFFFF;
	(pc) =	sbr.abs _section_cstart, $3  }
0xc2: {  	[dreg:$0x1] =	wrdreg $0xFFFFFFFF  }
0xc3: {  	_ =	task.clear_ibuf [dreg:s8], $0x2FFFF;
	_ =	strace $0x9FFFFFFF  }
0xc4: {  	(tm) =	ssettm $0x7FFFFFFF  }
0xc5: {  	_ =	shalt  }
tec
execute0_lowered:
.L_overlay_start_1:
0x0: {  	(tag) =	ssettag $0x1  }
0x1: {  	s1 =	rddreg [dreg:$0x0]  }
0x2: {  	s0 =	rddreg [dreg:$0x1];
	s2 =	srdreg.scid  }
0x3: {  	s3 =	stileid.u32;
	s4 =	rddreg [dreg:$0x2]  }
0x4: {  	s22 =	simm.s32 $0x1;
	s28 =	simm.s32 $0x2100;
	s29 =	simm.s32 $0x2900  }
0x5: {  	s30 =	simm.s32 $0x3100;
	s31 =	simm.s32 $0x3900;
	s9 =	simm.s32 $0x5900  }
0x6: {  	s10 =	simm.s32 $0x6100;
	s11 =	simm.s32 $0x6900;
	s12 =	simm.s32 $0x7100  }
0x7: {  	s13 =	simm.s32 $0x7900;
	s14 =	simm.s32 $0x8100;
	s15 =	simm.s32 $0x8900  }
0x8: {  	s16 =	simm.s32 $0x9100;
	s17 =	simm.s32 $0x9900;
	s18 =	simm.s32 $0xA100  }
0x9: {  	s19 =	simm.s32 $0xA900;
	s20 =	simm.s32 $0xB100;
	s21 =	simm.s32 $0xB900  }
0xa: {  	s2 =	sand.u32 $0x1, s2;
	s5 =	sshll.u32 s3, $0x1;
	s3 =	simm.s32 $0x0  }
0xb: {  	s4 =	sadd.s32 $0x5C00, s4;
	s5 =	sor.u32 s2, s5;
	s2 =	ssub.s32 $0x2, s2  }
0xc: {  	[smem:$0x7FF] =	sst s3;
	s6 =	smul.u32 $0x140, s5;
	s8 =	sshrl.u32 s2, $0x1  }
0xd: {  	_ =	strace $0x8000004A;
	s5 =	smul.u32 $0x5000, s5;
	s2 =	ssub.s32 s2, s8  }
0xe: {  	s8 =	simm.s32 $0x5100;
	s7 =	sshrl.u32 s6, $0x3;
	s6 =	sadd.s32 $0xA0, s6  }
0xf: {  	s5 =	sadd.s32 s4, s5;
	s7 =	sadd.s32 s0, s7;
	s24 =	sshrl.u32 s6, $0x3  }
0x10: {  	[dreg:$0x5] =	wrdreg s5;
	s25 =	sshll.u32 s6, $0x6;
	s5 =	smax.u32 s2, $0x1  }
0x11: {  	s6 =	simm.s32 $0x2;
	s2 =	simm.s32 $0x4100;
	[dreg:$0x4] =	wrdreg s7  }
0x12: {  	v2 =	vlaneseq.u32;
	s0 =	sadd.s32 s0, s24;
	s26 =	sadd.s32 s4, s25;
	s4 =	sadd.s32 $0x100, s1  }
0x13: {  	vm0 =	vmmov $0xffff;
	v1 =	vshrl.u32 v2, $0x3;
	s24 =	simm.s32 $0x900;
	s25 =	simm.s32 $0x1100;
	[dreg:$0x6] =	wrdreg s0  }
0x14: {  	v0 =	vand.u32 $0x7, v2;
	v2 =	vor.u32 $0x8, v2;
	v1 =	vmul.u32 $0x8, v1;
	s7 =	simm.s32 $0xC100;
	[dreg:$0x7] =	wrdreg s26;
	s26 =	simm.s32 $0x1900  }
.LBB2_1:
0x15: {  	s23 =	rddreg [dreg:$0x4]  }
0x16: {  	[tilespmem:s3], [sflag:$0x2] =	stream.linear.gather [hbm4b:s23+s3], $0xA0, $0x38;
	[tilespmem:$0x14100] =	vst v63  }
0x17: {  	_ =	swait.ge [sflag:s6], $0xA0  }
0x18: {  	[sflag:s6] =	ssyncset.done $0x0  }
0x19: {  	[sflag:s6] =	ssyncadd.s32 $0xFFFFFF60  }
0x1a: {  	v3 =	vld [tilespmem:$0x0];
	_ =	sdelay $0x4  }
0x1b: {  	v4 =	vshll.u32 v3, $0x2  }
0x1c: {  	v3 =	vand.u32 $0x7, v3;
	v4 =	vand.u32 $0xFFFFFFE0, v4  }
0x1d: {  	v3 =	vor.u32 v3, v4  }
0x1e: {  	v4 =	vperm.xlane v3, v0;
	_ =	sdelay $0x1  }
0x1f: {  	v4 =	vadd.s32 v1, v4;
	_ =	sdelay $0x1  }
0x20: {  	v3 =	vperm.xlane v3, v2;
	_ =	sdelay $0x1  }
0x21: {  	s0 =	simm.s32 $0x100;
	v3 =	vadd.s32 v1, v3  }
0x22: {  	[tilespmem:s0], [sflag:$0x1] =	stream.indirect_vreg.gather [hbm4b:s1+s3], $0x80, v4, vm0, $0xb8;
	[tilespmem:$0x14100] =	vst v63  }
0x23: {  	_ = 	snop  }
0x24: {  	[tilespmem:s24], [sflag:$0x1] =	stream.indirect_vreg.gather [hbm4b:s4+s3], $0x80, v4, vm0, $0xb8;
	[tilespmem:$0x14100] =	vst v63  }
0x25: {  	_ = 	snop  }
0x26: {  	[tilespmem:s25], [sflag:$0x1] =	stream.indirect_vreg.gather [hbm4b:s1+s3], $0x80, v3, vm0, $0xb8;
	[tilespmem:$0x14100] =	vst v63  }
0x27: {  	_ = 	snop  }
0x28: {  	[tilespmem:s26], [sflag:$0x1] =	stream.indirect_vreg.gather [hbm4b:s4+s3], $0x80, v3, vm0, $0xb8;
	[tilespmem:$0x14100] =	vst v63  }
0x29: {  	v3 =	vld [tilespmem:$0x10];
	_ =	sdelay $0x4  }
0x2a: {  	v45 =	vshll.u32 v3, $0x2  }
0x2b: {  	v3 =	vand.u32 $0x7, v3;
	v4 =	vand.u32 $0xFFFFFFE0, v45  }
0x2c: {  	v3 =	vor.u32 v3, v4  }
0x2d: {  	v4 =	vperm.xlane v3, v0;
	_ =	sdelay $0x1  }
0x2e: {  	v4 =	vadd.s32 v1, v4;
	_ =	sdelay $0x1  }
0x2f: {  	v3 =	vperm.xlane v3, v2;
	_ =	sdelay $0x1  }
0x30: {  	v3 =	vadd.s32 v1, v3  }
0x31: {  	[tilespmem:s28], [sflag:$0x1] =	stream.indirect_vreg.gather [hbm4b:s1+s3], $0x80, v4, vm0, $0xb8;
	[tilespmem:$0x14100] =	vst v63  }
0x32: {  	_ = 	snop  }
0x33: {  	[tilespmem:s29], [sflag:$0x1] =	stream.indirect_vreg.gather [hbm4b:s4+s3], $0x80, v4, vm0, $0xb8;
	[tilespmem:$0x14100] =	vst v63  }
0x34: {  	_ = 	snop  }
0x35: {  	[tilespmem:s30], [sflag:$0x1] =	stream.indirect_vreg.gather [hbm4b:s1+s3], $0x80, v3, vm0, $0xb8;
	[tilespmem:$0x14100] =	vst v63  }
0x36: {  	_ = 	snop  }
0x37: {  	[tilespmem:s31], [sflag:$0x1] =	stream.indirect_vreg.gather [hbm4b:s4+s3], $0x80, v3, vm0, $0xb8;
	[tilespmem:$0x14100] =	vst v63  }
0x38: {  	v3 =	vld [tilespmem:$0x20];
	_ =	sdelay $0x4  }
0x39: {  	v46 =	vshll.u32 v3, $0x2  }
0x3a: {  	v3 =	vand.u32 $0x7, v3;
	v4 =	vand.u32 $0xFFFFFFE0, v46  }
0x3b: {  	v3 =	vor.u32 v3, v4  }
0x3c: {  	v4 =	vperm.xlane v3, v0;
	_ =	sdelay $0x1  }
0x3d: {  	v4 =	vadd.s32 v1, v4;
	_ =	sdelay $0x1  }
0x3e: {  	v3 =	vperm.xlane v3, v2;
	_ =	sdelay $0x1  }
0x3f: {  	v3 =	vadd.s32 v1, v3  }
0x40: {  	[tilespmem:s2], [sflag:$0x1] =	stream.indirect_vreg.gather [hbm4b:s1+s3], $0x80, v4, vm0, $0xb8;
	[tilespmem:$0x14100] =	vst v63  }
0x41: {  	s23 =	simm.s32 $0x4900  }
0x42: {  	[tilespmem:s23], [sflag:$0x1] =	stream.indirect_vreg.gather [hbm4b:s4+s3], $0x80, v4, vm0, $0xb8;
	[tilespmem:$0x14100] =	vst v63  }
0x43: {  	_ = 	snop  }
0x44: {  	[tilespmem:s8], [sflag:$0x1] =	stream.indirect_vreg.gather [hbm4b:s1+s3], $0x80, v3, vm0, $0xb8;
	[tilespmem:$0x14100] =	vst v63  }
0x45: {  	_ = 	snop  }
0x46: {  	[tilespmem:s9], [sflag:$0x1] =	stream.indirect_vreg.gather [hbm4b:s4+s3], $0x80, v3, vm0, $0xb8;
	[tilespmem:$0x14100] =	vst v63  }
0x47: {  	v3 =	vld [tilespmem:$0x30];
	_ =	sdelay $0x4  }
0x48: {  	v47 =	vshll.u32 v3, $0x2  }
0x49: {  	v3 =	vand.u32 $0x7, v3;
	v4 =	vand.u32 $0xFFFFFFE0, v47  }
0x4a: {  	v3 =	vor.u32 v3, v4  }
0x4b: {  	v4 =	vperm.xlane v3, v0;
	_ =	sdelay $0x1  }
0x4c: {  	v4 =	vadd.s32 v1, v4;
	_ =	sdelay $0x1  }
0x4d: {  	v3 =	vperm.xlane v3, v2;
	_ =	sdelay $0x1  }
0x4e: {  	v3 =	vadd.s32 v1, v3  }
0x4f: {  	[tilespmem:s10], [sflag:$0x1] =	stream.indirect_vreg.gather [hbm4b:s1+s3], $0x80, v4, vm0, $0xb8;
	[tilespmem:$0x14100] =	vst v63  }
0x50: {  	_ = 	snop  }
0x51: {  	[tilespmem:s11], [sflag:$0x1] =	stream.indirect_vreg.gather [hbm4b:s4+s3], $0x80, v4, vm0, $0xb8;
	[tilespmem:$0x14100] =	vst v63  }
0x52: {  	_ = 	snop  }
0x53: {  	[tilespmem:s12], [sflag:$0x1] =	stream.indirect_vreg.gather [hbm4b:s1+s3], $0x80, v3, vm0, $0xb8;
	[tilespmem:$0x14100] =	vst v63  }
0x54: {  	_ = 	snop  }
0x55: {  	[tilespmem:s13], [sflag:$0x1] =	stream.indirect_vreg.gather [hbm4b:s4+s3], $0x80, v3, vm0, $0xb8;
	[tilespmem:$0x14100] =	vst v63  }
0x56: {  	v3 =	vld [tilespmem:$0x40];
	_ =	sdelay $0x4  }
0x57: {  	v48 =	vshll.u32 v3, $0x2  }
0x58: {  	v3 =	vand.u32 $0x7, v3;
	v4 =	vand.u32 $0xFFFFFFE0, v48  }
0x59: {  	v3 =	vor.u32 v3, v4  }
0x5a: {  	v4 =	vperm.xlane v3, v0;
	_ =	sdelay $0x1  }
0x5b: {  	v4 =	vadd.s32 v1, v4;
	_ =	sdelay $0x1  }
0x5c: {  	v3 =	vperm.xlane v3, v2;
	_ =	sdelay $0x1  }
0x5d: {  	v3 =	vadd.s32 v1, v3  }
0x5e: {  	[tilespmem:s14], [sflag:$0x1] =	stream.indirect_vreg.gather [hbm4b:s1+s3], $0x80, v4, vm0, $0xb8;
	[tilespmem:$0x14100] =	vst v63  }
0x5f: {  	_ = 	snop  }
0x60: {  	[tilespmem:s15], [sflag:$0x1] =	stream.indirect_vreg.gather [hbm4b:s4+s3], $0x80, v4, vm0, $0xb8;
	[tilespmem:$0x14100] =	vst v63  }
0x61: {  	_ = 	snop  }
0x62: {  	[tilespmem:s16], [sflag:$0x1] =	stream.indirect_vreg.gather [hbm4b:s1+s3], $0x80, v3, vm0, $0xb8;
	[tilespmem:$0x14100] =	vst v63  }
0x63: {  	_ = 	snop  }
0x64: {  	[tilespmem:s17], [sflag:$0x1] =	stream.indirect_vreg.gather [hbm4b:s4+s3], $0x80, v3, vm0, $0xb8;
	[tilespmem:$0x14100] =	vst v63  }
0x65: {  	v3 =	vld [tilespmem:$0x50];
	_ =	sdelay $0x4  }
0x66: {  	v49 =	vshll.u32 v3, $0x2  }
0x67: {  	v3 =	vand.u32 $0x7, v3;
	v4 =	vand.u32 $0xFFFFFFE0, v49  }
0x68: {  	v3 =	vor.u32 v3, v4  }
0x69: {  	v4 =	vperm.xlane v3, v0;
	_ =	sdelay $0x1  }
0x6a: {  	v4 =	vadd.s32 v1, v4;
	_ =	sdelay $0x1  }
0x6b: {  	v3 =	vperm.xlane v3, v2;
	_ =	sdelay $0x1  }
0x6c: {  	v3 =	vadd.s32 v1, v3  }
0x6d: {  	[tilespmem:s18], [sflag:$0x1] =	stream.indirect_vreg.gather [hbm4b:s1+s3], $0x80, v4, vm0, $0xb8;
	[tilespmem:$0x14100] =	vst v63  }
0x6e: {  	_ = 	snop  }
0x6f: {  	[tilespmem:s19], [sflag:$0x1] =	stream.indirect_vreg.gather [hbm4b:s4+s3], $0x80, v4, vm0, $0xb8;
	[tilespmem:$0x14100] =	vst v63  }
0x70: {  	_ = 	snop  }
0x71: {  	[tilespmem:s20], [sflag:$0x1] =	stream.indirect_vreg.gather [hbm4b:s1+s3], $0x80, v3, vm0, $0xb8;
	[tilespmem:$0x14100] =	vst v63  }
0x72: {  	_ = 	snop  }
0x73: {  	[tilespmem:s21], [sflag:$0x1] =	stream.indirect_vreg.gather [hbm4b:s4+s3], $0x80, v3, vm0, $0xb8;
	[tilespmem:$0x14100] =	vst v63  }
0x74: {  	v3 =	vld [tilespmem:$0x60];
	_ =	sdelay $0x4  }
0x75: {  	v50 =	vshll.u32 v3, $0x2  }
0x76: {  	v3 =	vand.u32 $0x7, v3;
	v4 =	vand.u32 $0xFFFFFFE0, v50  }
0x77: {  	v3 =	vor.u32 v3, v4  }
0x78: {  	v4 =	vperm.xlane v3, v0;
	_ =	sdelay $0x1  }
0x79: {  	v4 =	vadd.s32 v1, v4;
	_ =	sdelay $0x1  }
0x7a: {  	v3 =	vperm.xlane v3, v2;
	_ =	sdelay $0x1  }
0x7b: {  	v3 =	vadd.s32 v1, v3  }
0x7c: {  	[tilespmem:s7], [sflag:$0x1] =	stream.indirect_vreg.gather [hbm4b:s1+s3], $0x80, v4, vm0, $0xb8;
	[tilespmem:$0x14100] =	vst v63  }
0x7d: {  	s23 =	simm.s32 $0xC900  }
0x7e: {  	[tilespmem:s23], [sflag:$0x1] =	stream.indirect_vreg.gather [hbm4b:s4+s3], $0x80, v4, vm0, $0xb8;
	[tilespmem:$0x14100] =	vst v63  }
0x7f: {  	s23 =	simm.s32 $0xD100  }
0x80: {  	[tilespmem:s23], [sflag:$0x1] =	stream.indirect_vreg.gather [hbm4b:s1+s3], $0x80, v3, vm0, $0xb8;
	[tilespmem:$0x14100] =	vst v63  }
0x81: {  	s23 =	simm.s32 $0xD900  }
0x82: {  	[tilespmem:s23], [sflag:$0x1] =	stream.indirect_vreg.gather [hbm4b:s4+s3], $0x80, v3, vm0, $0xb8;
	[tilespmem:$0x14100] =	vst v63  }
0x83: {  	v3 =	vld [tilespmem:$0x70];
	_ =	sdelay $0x4  }
0x84: {  	v51 =	vshll.u32 v3, $0x2  }
0x85: {  	v3 =	vand.u32 $0x7, v3;
	v4 =	vand.u32 $0xFFFFFFE0, v51  }
0x86: {  	v3 =	vor.u32 v3, v4  }
0x87: {  	v4 =	vperm.xlane v3, v0;
	_ =	sdelay $0x1  }
0x88: {  	v4 =	vadd.s32 v1, v4;
	_ =	sdelay $0x1  }
0x89: {  	v3 =	vperm.xlane v3, v2;
	_ =	sdelay $0x1  }
0x8a: {  	s23 =	simm.s32 $0xE100;
	v3 =	vadd.s32 v1, v3  }
0x8b: {  	[tilespmem:s23], [sflag:$0x1] =	stream.indirect_vreg.gather [hbm4b:s1+s3], $0x80, v4, vm0, $0xb8;
	[tilespmem:$0x14100] =	vst v63  }
0x8c: {  	s23 =	simm.s32 $0xE900  }
0x8d: {  	[tilespmem:s23], [sflag:$0x1] =	stream.indirect_vreg.gather [hbm4b:s4+s3], $0x80, v4, vm0, $0xb8;
	[tilespmem:$0x14100] =	vst v63  }
0x8e: {  	s23 =	simm.s32 $0xF100  }
0x8f: {  	[tilespmem:s23], [sflag:$0x1] =	stream.indirect_vreg.gather [hbm4b:s1+s3], $0x80, v3, vm0, $0xb8;
	[tilespmem:$0x14100] =	vst v63  }
0x90: {  	s23 =	simm.s32 $0xF900  }
0x91: {  	[tilespmem:s23], [sflag:$0x1] =	stream.indirect_vreg.gather [hbm4b:s4+s3], $0x80, v3, vm0, $0xb8;
	[tilespmem:$0x14100] =	vst v63  }
0x92: {  	v3 =	vld [tilespmem:$0x80];
	_ =	sdelay $0x4  }
0x93: {  	v52 =	vshll.u32 v3, $0x2  }
0x94: {  	v3 =	vand.u32 $0x7, v3;
	v4 =	vand.u32 $0xFFFFFFE0, v52  }
0x95: {  	v3 =	vor.u32 v3, v4  }
0x96: {  	v4 =	vperm.xlane v3, v0;
	_ =	sdelay $0x1  }
0x97: {  	v4 =	vadd.s32 v1, v4;
	_ =	sdelay $0x1  }
0x98: {  	v3 =	vperm.xlane v3, v2;
	_ =	sdelay $0x1  }
0x99: {  	s23 =	simm.s32 $0x10100;
	v3 =	vadd.s32 v1, v3  }
0x9a: {  	[tilespmem:s23], [sflag:$0x1] =	stream.indirect_vreg.gather [hbm4b:s1+s3], $0x80, v4, vm0, $0xb8;
	[tilespmem:$0x14100] =	vst v63  }
0x9b: {  	s23 =	simm.s32 $0x10900  }
0x9c: {  	[tilespmem:s23], [sflag:$0x1] =	stream.indirect_vreg.gather [hbm4b:s4+s3], $0x80, v4, vm0, $0xb8;
	[tilespmem:$0x14100] =	vst v63  }
0x9d: {  	s23 =	simm.s32 $0x11100  }
0x9e: {  	[tilespmem:s23], [sflag:$0x1] =	stream.indirect_vreg.gather [hbm4b:s1+s3], $0x80, v3, vm0, $0xb8;
	[tilespmem:$0x14100] =	vst v63  }
0x9f: {  	s23 =	simm.s32 $0x11900  }
0xa0: {  	[tilespmem:s23], [sflag:$0x1] =	stream.indirect_vreg.gather [hbm4b:s4+s3], $0x80, v3, vm0, $0xb8;
	[tilespmem:$0x14100] =	vst v63  }
0xa1: {  	v3 =	vld [tilespmem:$0x90];
	_ =	sdelay $0x4  }
0xa2: {  	v53 =	vshll.u32 v3, $0x2  }
0xa3: {  	v3 =	vand.u32 $0x7, v3;
	v4 =	vand.u32 $0xFFFFFFE0, v53  }
0xa4: {  	v3 =	vor.u32 v3, v4  }
0xa5: {  	v4 =	vperm.xlane v3, v0;
	_ =	sdelay $0x1  }
0xa6: {  	v4 =	vadd.s32 v1, v4;
	_ =	sdelay $0x1  }
0xa7: {  	v3 =	vperm.xlane v3, v2;
	_ =	sdelay $0x1  }
0xa8: {  	s23 =	simm.s32 $0x12100;
	v3 =	vadd.s32 v1, v3  }
0xa9: {  	[tilespmem:s23], [sflag:$0x1] =	stream.indirect_vreg.gather [hbm4b:s1+s3], $0x80, v4, vm0, $0xb8;
	[tilespmem:$0x14100] =	vst v63  }
0xaa: {  	s23 =	simm.s32 $0x12900  }
0xab: {  	[tilespmem:s23], [sflag:$0x1] =	stream.indirect_vreg.gather [hbm4b:s4+s3], $0x80, v4, vm0, $0xb8;
	[tilespmem:$0x14100] =	vst v63  }
0xac: {  	s23 =	simm.s32 $0x13100  }
0xad: {  	[tilespmem:s23], [sflag:$0x1] =	stream.indirect_vreg.gather [hbm4b:s1+s3], $0x80, v3, vm0, $0xb8;
	[tilespmem:$0x14100] =	vst v63  }
0xae: {  	s23 =	simm.s32 $0x13900  }
0xaf: {  	[tilespmem:s23], [sflag:$0x1] =	stream.indirect_vreg.gather [hbm4b:s4+s3], $0x80, v3, vm0, $0xb8;
	[tilespmem:$0x14100] =	vst v63  }
0xb0: {  	_ =	swait.ge [sflag:s22], $0x14000  }
0xb1: {  	[sflag:s22] =	ssyncset.done $0x0  }
0xb2: {  	s0 =	simm.s32 $0x100;
	s23 =	rddreg [dreg:$0x5];
	[sflag:s22] =	ssyncadd.s32 $0xFFFEC000  }
0xb3: {  	[hbm4b:s23+s3] =	stream.linear.scatter [tilespmem:s0], [sflag:$0x2], $0x14000, $0x38;
	[tilespmem:$0x14100] =	vst v63  }
0xb4: {  	_ =	swait.ge [sflag:s6], $0x14000  }
0xb5: {  	[sflag:s6] =	ssyncset.done $0x0  }
0xb6: {  	s23 =	rddreg [dreg:$0x6];
	[sflag:s6] =	ssyncadd.s32 $0xFFFEC000  }
0xb7: {  	[tilespmem:s3], [sflag:$0x2] =	stream.linear.gather [hbm4b:s23+s3], $0xA0, $0x38;
	[tilespmem:$0x14100] =	vst v63  }
0xb8: {  	_ =	swait.ge [sflag:s6], $0xA0  }
0xb9: {  	[sflag:s6] =	ssyncset.done $0x0  }
0xba: {  	[sflag:s6] =	ssyncadd.s32 $0xFFFFFF60  }
0xbb: {  	v3 =	vld [tilespmem:$0x0];
	_ =	sdelay $0x4  }
0xbc: {  	v54 =	vshll.u32 v3, $0x2  }
0xbd: {  	v3 =	vand.u32 $0x7, v3;
	v4 =	vand.u32 $0xFFFFFFE0, v54  }
0xbe: {  	v3 =	vor.u32 v3, v4  }
0xbf: {  	v4 =	vperm.xlane v3, v0;
	_ =	sdelay $0x1  }
0xc0: {  	v4 =	vadd.s32 v1, v4;
	_ =	sdelay $0x1  }
0xc1: {  	v3 =	vperm.xlane v3, v2;
	_ =	sdelay $0x1  }
0xc2: {  	v3 =	vadd.s32 v1, v3  }
0xc3: {  	[tilespmem:s0], [sflag:$0x1] =	stream.indirect_vreg.gather [hbm4b:s1+s3], $0x80, v4, vm0, $0xb8;
	[tilespmem:$0x14100] =	vst v63  }
0xc4: {  	_ = 	snop  }
0xc5: {  	[tilespmem:s24], [sflag:$0x1] =	stream.indirect_vreg.gather [hbm4b:s4+s3], $0x80, v4, vm0, $0xb8;
	[tilespmem:$0x14100] =	vst v63  }
0xc6: {  	_ = 	snop  }
0xc7: {  	[tilespmem:s25], [sflag:$0x1] =	stream.indirect_vreg.gather [hbm4b:s1+s3], $0x80, v3, vm0, $0xb8;
	[tilespmem:$0x14100] =	vst v63  }
0xc8: {  	_ = 	snop  }
0xc9: {  	[tilespmem:s26], [sflag:$0x1] =	stream.indirect_vreg.gather [hbm4b:s4+s3], $0x80, v3, vm0, $0xb8;
	[tilespmem:$0x14100] =	vst v63  }
0xca: {  	v3 =	vld [tilespmem:$0x10];
	_ =	sdelay $0x4  }
0xcb: {  	v55 =	vshll.u32 v3, $0x2  }
0xcc: {  	v3 =	vand.u32 $0x7, v3;
	v4 =	vand.u32 $0xFFFFFFE0, v55  }
0xcd: {  	v3 =	vor.u32 v3, v4  }
0xce: {  	v4 =	vperm.xlane v3, v0;
	_ =	sdelay $0x1  }
0xcf: {  	v4 =	vadd.s32 v1, v4;
	_ =	sdelay $0x1  }
0xd0: {  	v3 =	vperm.xlane v3, v2;
	_ =	sdelay $0x1  }
0xd1: {  	v3 =	vadd.s32 v1, v3  }
0xd2: {  	[tilespmem:s28], [sflag:$0x1] =	stream.indirect_vreg.gather [hbm4b:s1+s3], $0x80, v4, vm0, $0xb8;
	[tilespmem:$0x14100] =	vst v63  }
0xd3: {  	_ = 	snop  }
0xd4: {  	[tilespmem:s29], [sflag:$0x1] =	stream.indirect_vreg.gather [hbm4b:s4+s3], $0x80, v4, vm0, $0xb8;
	[tilespmem:$0x14100] =	vst v63  }
0xd5: {  	_ = 	snop  }
0xd6: {  	[tilespmem:s30], [sflag:$0x1] =	stream.indirect_vreg.gather [hbm4b:s1+s3], $0x80, v3, vm0, $0xb8;
	[tilespmem:$0x14100] =	vst v63  }
0xd7: {  	_ = 	snop  }
0xd8: {  	[tilespmem:s31], [sflag:$0x1] =	stream.indirect_vreg.gather [hbm4b:s4+s3], $0x80, v3, vm0, $0xb8;
	[tilespmem:$0x14100] =	vst v63  }
0xd9: {  	v3 =	vld [tilespmem:$0x20];
	_ =	sdelay $0x4  }
0xda: {  	v56 =	vshll.u32 v3, $0x2  }
0xdb: {  	v3 =	vand.u32 $0x7, v3;
	v4 =	vand.u32 $0xFFFFFFE0, v56  }
0xdc: {  	v3 =	vor.u32 v3, v4  }
0xdd: {  	v4 =	vperm.xlane v3, v0;
	_ =	sdelay $0x1  }
0xde: {  	v4 =	vadd.s32 v1, v4;
	_ =	sdelay $0x1  }
0xdf: {  	v3 =	vperm.xlane v3, v2;
	_ =	sdelay $0x1  }
0xe0: {  	v3 =	vadd.s32 v1, v3  }
0xe1: {  	[tilespmem:s2], [sflag:$0x1] =	stream.indirect_vreg.gather [hbm4b:s1+s3], $0x80, v4, vm0, $0xb8;
	[tilespmem:$0x14100] =	vst v63  }
0xe2: {  	s23 =	simm.s32 $0x4900  }
0xe3: {  	[tilespmem:s23], [sflag:$0x1] =	stream.indirect_vreg.gather [hbm4b:s4+s3], $0x80, v4, vm0, $0xb8;
	[tilespmem:$0x14100] =	vst v63  }
0xe4: {  	_ = 	snop  }
0xe5: {  	[tilespmem:s8], [sflag:$0x1] =	stream.indirect_vreg.gather [hbm4b:s1+s3], $0x80, v3, vm0, $0xb8;
	[tilespmem:$0x14100] =	vst v63  }
0xe6: {  	_ = 	snop  }
0xe7: {  	[tilespmem:s9], [sflag:$0x1] =	stream.indirect_vreg.gather [hbm4b:s4+s3], $0x80, v3, vm0, $0xb8;
	[tilespmem:$0x14100] =	vst v63  }
0xe8: {  	v3 =	vld [tilespmem:$0x30];
	_ =	sdelay $0x4  }
0xe9: {  	v57 =	vshll.u32 v3, $0x2  }
0xea: {  	v3 =	vand.u32 $0x7, v3;
	v4 =	vand.u32 $0xFFFFFFE0, v57  }
0xeb: {  	v3 =	vor.u32 v3, v4  }
0xec: {  	v4 =	vperm.xlane v3, v0;
	_ =	sdelay $0x1  }
0xed: {  	v4 =	vadd.s32 v1, v4;
	_ =	sdelay $0x1  }
0xee: {  	v3 =	vperm.xlane v3, v2;
	_ =	sdelay $0x1  }
0xef: {  	v3 =	vadd.s32 v1, v3  }
0xf0: {  	[tilespmem:s10], [sflag:$0x1] =	stream.indirect_vreg.gather [hbm4b:s1+s3], $0x80, v4, vm0, $0xb8;
	[tilespmem:$0x14100] =	vst v63  }
0xf1: {  	_ = 	snop  }
0xf2: {  	[tilespmem:s11], [sflag:$0x1] =	stream.indirect_vreg.gather [hbm4b:s4+s3], $0x80, v4, vm0, $0xb8;
	[tilespmem:$0x14100] =	vst v63  }
0xf3: {  	_ = 	snop  }
0xf4: {  	[tilespmem:s12], [sflag:$0x1] =	stream.indirect_vreg.gather [hbm4b:s1+s3], $0x80, v3, vm0, $0xb8;
	[tilespmem:$0x14100] =	vst v63  }
0xf5: {  	_ = 	snop  }
0xf6: {  	[tilespmem:s13], [sflag:$0x1] =	stream.indirect_vreg.gather [hbm4b:s4+s3], $0x80, v3, vm0, $0xb8;
	[tilespmem:$0x14100] =	vst v63  }
0xf7: {  	v3 =	vld [tilespmem:$0x40];
	_ =	sdelay $0x4  }
0xf8: {  	v58 =	vshll.u32 v3, $0x2  }
0xf9: {  	v3 =	vand.u32 $0x7, v3;
	v4 =	vand.u32 $0xFFFFFFE0, v58  }
0xfa: {  	v3 =	vor.u32 v3, v4  }
0xfb: {  	v4 =	vperm.xlane v3, v0;
	_ =	sdelay $0x1  }
0xfc: {  	v4 =	vadd.s32 v1, v4;
	_ =	sdelay $0x1  }
0xfd: {  	v3 =	vperm.xlane v3, v2;
	_ =	sdelay $0x1  }
0xfe: {  	v3 =	vadd.s32 v1, v3  }
0xff: {  	[tilespmem:s14], [sflag:$0x1] =	stream.indirect_vreg.gather [hbm4b:s1+s3], $0x80, v4, vm0, $0xb8;
	[tilespmem:$0x14100] =	vst v63  }
0x100: {  	_ = 	snop  }
0x101: {  	[tilespmem:s15], [sflag:$0x1] =	stream.indirect_vreg.gather [hbm4b:s4+s3], $0x80, v4, vm0, $0xb8;
	[tilespmem:$0x14100] =	vst v63  }
0x102: {  	_ = 	snop  }
0x103: {  	[tilespmem:s16], [sflag:$0x1] =	stream.indirect_vreg.gather [hbm4b:s1+s3], $0x80, v3, vm0, $0xb8;
	[tilespmem:$0x14100] =	vst v63  }
0x104: {  	_ = 	snop  }
0x105: {  	[tilespmem:s17], [sflag:$0x1] =	stream.indirect_vreg.gather [hbm4b:s4+s3], $0x80, v3, vm0, $0xb8;
	[tilespmem:$0x14100] =	vst v63  }
0x106: {  	v3 =	vld [tilespmem:$0x50];
	_ =	sdelay $0x4  }
0x107: {  	v59 =	vshll.u32 v3, $0x2  }
0x108: {  	v3 =	vand.u32 $0x7, v3;
	v4 =	vand.u32 $0xFFFFFFE0, v59  }
0x109: {  	v3 =	vor.u32 v3, v4  }
0x10a: {  	v4 =	vperm.xlane v3, v0;
	_ =	sdelay $0x1  }
0x10b: {  	v4 =	vadd.s32 v1, v4;
	_ =	sdelay $0x1  }
0x10c: {  	v3 =	vperm.xlane v3, v2;
	_ =	sdelay $0x1  }
0x10d: {  	v3 =	vadd.s32 v1, v3  }
0x10e: {  	[tilespmem:s18], [sflag:$0x1] =	stream.indirect_vreg.gather [hbm4b:s1+s3], $0x80, v4, vm0, $0xb8;
	[tilespmem:$0x14100] =	vst v63  }
0x10f: {  	_ = 	snop  }
0x110: {  	[tilespmem:s19], [sflag:$0x1] =	stream.indirect_vreg.gather [hbm4b:s4+s3], $0x80, v4, vm0, $0xb8;
	[tilespmem:$0x14100] =	vst v63  }
0x111: {  	_ = 	snop  }
0x112: {  	[tilespmem:s20], [sflag:$0x1] =	stream.indirect_vreg.gather [hbm4b:s1+s3], $0x80, v3, vm0, $0xb8;
	[tilespmem:$0x14100] =	vst v63  }
0x113: {  	_ = 	snop  }
0x114: {  	[tilespmem:s21], [sflag:$0x1] =	stream.indirect_vreg.gather [hbm4b:s4+s3], $0x80, v3, vm0, $0xb8;
	[tilespmem:$0x14100] =	vst v63  }
0x115: {  	v3 =	vld [tilespmem:$0x60];
	_ =	sdelay $0x4  }
0x116: {  	v60 =	vshll.u32 v3, $0x2  }
0x117: {  	v3 =	vand.u32 $0x7, v3;
	v4 =	vand.u32 $0xFFFFFFE0, v60  }
0x118: {  	v3 =	vor.u32 v3, v4  }
0x119: {  	v4 =	vperm.xlane v3, v0;
	_ =	sdelay $0x1  }
0x11a: {  	v4 =	vadd.s32 v1, v4;
	_ =	sdelay $0x1  }
0x11b: {  	v3 =	vperm.xlane v3, v2;
	_ =	sdelay $0x1  }
0x11c: {  	v3 =	vadd.s32 v1, v3  }
0x11d: {  	[tilespmem:s7], [sflag:$0x1] =	stream.indirect_vreg.gather [hbm4b:s1+s3], $0x80, v4, vm0, $0xb8;
	[tilespmem:$0x14100] =	vst v63  }
0x11e: {  	s23 =	simm.s32 $0xC900  }
0x11f: {  	[tilespmem:s23], [sflag:$0x1] =	stream.indirect_vreg.gather [hbm4b:s4+s3], $0x80, v4, vm0, $0xb8;
	[tilespmem:$0x14100] =	vst v63  }
0x120: {  	s23 =	simm.s32 $0xD100  }
0x121: {  	[tilespmem:s23], [sflag:$0x1] =	stream.indirect_vreg.gather [hbm4b:s1+s3], $0x80, v3, vm0, $0xb8;
	[tilespmem:$0x14100] =	vst v63  }
0x122: {  	s23 =	simm.s32 $0xD900  }
0x123: {  	[tilespmem:s23], [sflag:$0x1] =	stream.indirect_vreg.gather [hbm4b:s4+s3], $0x80, v3, vm0, $0xb8;
	[tilespmem:$0x14100] =	vst v63  }
0x124: {  	v3 =	vld [tilespmem:$0x70];
	_ =	sdelay $0x4  }
0x125: {  	v61 =	vshll.u32 v3, $0x2  }
0x126: {  	v3 =	vand.u32 $0x7, v3;
	v4 =	vand.u32 $0xFFFFFFE0, v61  }
0x127: {  	v3 =	vor.u32 v3, v4  }
0x128: {  	v4 =	vperm.xlane v3, v0;
	_ =	sdelay $0x1  }
0x129: {  	v4 =	vadd.s32 v1, v4;
	_ =	sdelay $0x1  }
0x12a: {  	v3 =	vperm.xlane v3, v2;
	_ =	sdelay $0x1  }
0x12b: {  	s23 =	simm.s32 $0xE100;
	v3 =	vadd.s32 v1, v3  }
0x12c: {  	[tilespmem:s23], [sflag:$0x1] =	stream.indirect_vreg.gather [hbm4b:s1+s3], $0x80, v4, vm0, $0xb8;
	[tilespmem:$0x14100] =	vst v63  }
0x12d: {  	s23 =	simm.s32 $0xE900  }
0x12e: {  	[tilespmem:s23], [sflag:$0x1] =	stream.indirect_vreg.gather [hbm4b:s4+s3], $0x80, v4, vm0, $0xb8;
	[tilespmem:$0x14100] =	vst v63  }
0x12f: {  	s23 =	simm.s32 $0xF100  }
0x130: {  	[tilespmem:s23], [sflag:$0x1] =	stream.indirect_vreg.gather [hbm4b:s1+s3], $0x80, v3, vm0, $0xb8;
	[tilespmem:$0x14100] =	vst v63  }
0x131: {  	s23 =	simm.s32 $0xF900  }
0x132: {  	[tilespmem:s23], [sflag:$0x1] =	stream.indirect_vreg.gather [hbm4b:s4+s3], $0x80, v3, vm0, $0xb8;
	[tilespmem:$0x14100] =	vst v63  }
0x133: {  	v3 =	vld [tilespmem:$0x80];
	_ =	sdelay $0x4  }
0x134: {  	v62 =	vshll.u32 v3, $0x2  }
0x135: {  	v3 =	vand.u32 $0x7, v3;
	v4 =	vand.u32 $0xFFFFFFE0, v62  }
0x136: {  	v3 =	vor.u32 v3, v4  }
0x137: {  	v4 =	vperm.xlane v3, v0;
	_ =	sdelay $0x1  }
0x138: {  	v4 =	vadd.s32 v1, v4;
	_ =	sdelay $0x1  }
0x139: {  	v3 =	vperm.xlane v3, v2;
	_ =	sdelay $0x1  }
0x13a: {  	s23 =	simm.s32 $0x10100;
	v3 =	vadd.s32 v1, v3  }
0x13b: {  	[tilespmem:s23], [sflag:$0x1] =	stream.indirect_vreg.gather [hbm4b:s1+s3], $0x80, v4, vm0, $0xb8;
	[tilespmem:$0x14100] =	vst v63  }
0x13c: {  	s23 =	simm.s32 $0x10900  }
0x13d: {  	[tilespmem:s23], [sflag:$0x1] =	stream.indirect_vreg.gather [hbm4b:s4+s3], $0x80, v4, vm0, $0xb8;
	[tilespmem:$0x14100] =	vst v63  }
0x13e: {  	s23 =	simm.s32 $0x11100  }
0x13f: {  	[tilespmem:s23], [sflag:$0x1] =	stream.indirect_vreg.gather [hbm4b:s1+s3], $0x80, v3, vm0, $0xb8;
	[tilespmem:$0x14100] =	vst v63  }
0x140: {  	s23 =	simm.s32 $0x11900  }
0x141: {  	[tilespmem:s23], [sflag:$0x1] =	stream.indirect_vreg.gather [hbm4b:s4+s3], $0x80, v3, vm0, $0xb8;
	[tilespmem:$0x14100] =	vst v63  }
0x142: {  	v3 =	vld [tilespmem:$0x90];
	_ =	sdelay $0x4  }
0x143: {  	v63 =	vshll.u32 v3, $0x2  }
0x144: {  	v3 =	vand.u32 $0x7, v3;
	v4 =	vand.u32 $0xFFFFFFE0, v63  }
0x145: {  	v3 =	vor.u32 v3, v4  }
0x146: {  	v4 =	vperm.xlane v3, v0;
	_ =	sdelay $0x1  }
0x147: {  	v4 =	vadd.s32 v1, v4;
	_ =	sdelay $0x1  }
0x148: {  	v3 =	vperm.xlane v3, v2;
	_ =	sdelay $0x1  }
0x149: {  	s23 =	simm.s32 $0x12100;
	v3 =	vadd.s32 v1, v3  }
0x14a: {  	[tilespmem:s23], [sflag:$0x1] =	stream.indirect_vreg.gather [hbm4b:s1+s3], $0x80, v4, vm0, $0xb8;
	[tilespmem:$0x14100] =	vst v63  }
0x14b: {  	s23 =	simm.s32 $0x12900  }
0x14c: {  	[tilespmem:s23], [sflag:$0x1] =	stream.indirect_vreg.gather [hbm4b:s4+s3], $0x80, v4, vm0, $0xb8;
	[tilespmem:$0x14100] =	vst v63  }
0x14d: {  	s23 =	simm.s32 $0x13100  }
0x14e: {  	[tilespmem:s23], [sflag:$0x1] =	stream.indirect_vreg.gather [hbm4b:s1+s3], $0x80, v3, vm0, $0xb8;
	[tilespmem:$0x14100] =	vst v63  }
0x14f: {  	s23 =	simm.s32 $0x13900  }
0x150: {  	[tilespmem:s23], [sflag:$0x1] =	stream.indirect_vreg.gather [hbm4b:s4+s3], $0x80, v3, vm0, $0xb8;
	[tilespmem:$0x14100] =	vst v63  }
0x151: {  	_ =	swait.ge [sflag:s22], $0x14000  }
0x152: {  	p0 =	sne.s32 s5, $0x1;
	s0 =	simm.s32 $0x100;
	[sflag:s22] =	ssyncset.done $0x0  }
.Ltmp0:
0x153: {  	s23 =	rddreg [dreg:$0x7];
	[sflag:s22] =	ssyncadd.s32 $0xFFFEC000;
	(pc) =	sbr.rel @p0 .LBB2_1-.Ltmp0, $4  }
0x154: {  	[hbm4b:s23+s3] =	stream.linear.scatter [tilespmem:s0], [sflag:$0x2], $0x14000, $0x38;
	[tilespmem:$0x14100] =	vst v63  }
0x155: {  	_ =	swait.ge [sflag:s6], $0x14000  }
0x156: {  	[sflag:s6] =	ssyncset.done $0x0  }
0x157: {  	s5 =	sadd.s32 $0xFFFFFFFF, s5;
	[sflag:s6] =	ssyncadd.s32 $0xFFFEC000  }
0x158: {  	_ =	sfence.sel $0x180000  }
0x159: {  	[bflag:$0x0] =	sbarrier.arrive $0xFFFF  }
0x15a: {  	_ =	strace $0x9000004A  }
0x15b: {  	s0 =	stileid.u32;
	[bflag:$0x2] =	sbarrier.arrive $0xFFFF  }
0x15c: {  	p0 =	sne.s32 s0, $0x0;
	s0 =	rddreg [dreg:$0x3]  }
0x15d: {  	s0 =	sadd.s32 @!p0 $0x100000, s0  }
0x15e: {  	[sflag:s0] =	ssyncadd.tile.s32 @!p0 $0x1;
	_ =	shalt  }
.Lfunc_end2:
_tile_overlayer_lowered:
.L_overlay_start_2:
0x15f: {  	(tag) =	ssettag $0x2  }
0x160: {  	s0 =	rddreg [dreg:$0x0];
	s2 =	stileid.u32  }
0x161: {  	s1 =	rddreg [dreg:$0x1];
	p0 =	sne.s32 s2, $0x0  }
0x162: {  	s3 =	rddreg [dreg:$0x2];
	[bflag:$0x3] =	sbarrier.arrive $0xFFFF;
	s2 =	simm.s32 @!p0 $0x1C02  }
0x163: {  	[timem:s3], [sflag:s2] =	dma.local @!p0 [hbm:s0], s1  }
0x164: {  	s0 =	simm.s32 @!p0 $0x2  }
0x165: {  	_ =	swait.ge @!p0 [sflag:s0], s1  }
0x166: {  	s1 =	ssub.s32 @!p0 $0x0, s1;
	[sflag:s0] =	ssyncset.done @!p0 $0x0  }
0x167: {  	[sflag:s0] =	ssyncadd.s32 @!p0 s1  }
0x168: {  	[bflag:$0x3] =	sbarrier.arrive $0xFFFF  }
0x169: {  	_ =	shalt  }

// kernel: kernel.8.cloned.1.call-start
scs
__scs_entry_jumppad:
0x0: {  	(pc) =	sbr.rel $0x88, $3  }
0x1: {  	(tag) =	ssettag $0x0;
	lr =	simm.s32 $0x1  }
0x2: {  	[smem:$0x3F9C] =	sst lr;
	_ =	strace $0xD0000000  }
0x3: {  	_ = 	snop  }
0x4: {  	_ = 	snop  }
0x5: {  	_ = 	snop  }
0x6: {  	_ = 	snop  }
0x7: {  	_ = 	snop  }
__scs_overlays_trampoline_lowered:
0x8: {  	[smem:$0x3FAB] =	sst s0  }
0x9: {  	[smem:$0x3FAC] =	sst s1  }
0xa: {  	[smem:$0x3FAD] =	sst s2  }
0xb: {  	[smem:$0x3FAE] =	sst s3  }
0xc: {  	[smem:$0x3FAF] =	sst s4  }
0xd: {  	[smem:$0x3FB0] =	sst s5  }
0xe: {  	[smem:$0x3FB1] =	sst s6  }
0xf: {  	[smem:$0x3FB2] =	sst s7  }
0x10: {  	[smem:$0x3FB3] =	sst s8  }
0x11: {  	[smem:$0x3FB4] =	sst s9;
	s0 =	simm.s32 @!p0 $0x0  }
0x12: {  	s1 =	sld [smem:$0x3F9A];
	s0 =	simm.s32 @p0 $0x1  }
0x13: {  	[smem:$0x3FB5] =	sst s0;
	s0 =	simm.s32 @!p1 $0x0  }
0x14: {  	s2 =	sld [smem:$0x3F99];
	s0 =	simm.s32 @p1 $0x1  }
0x15: {  	[smem:$0x3FB6] =	sst s0;
	s0 =	simm.s32 @!p2 $0x0  }
0x16: {  	s3 =	sld [smem:$0x3FDB];
	s0 =	simm.s32 @p2 $0x1  }
0x17: {  	s4 =	simm.s32 $0x1BF5;
	[smem:$0x3FB8] =	sst s0  }
0x18: {  	s0 =	sld [smem:$0x3F9B];
	_ =	swait.ge [sflag:s4], $0x0  }
0x19: {  	s7 =	sld [smem:$0x3F9C]  }
0x1a: {  	s8 =	sadd.s32 $0xFFFFE003, lr  }
0x1b: {  	s9 =	sadd.s32 $0xFFFFFEF7, lr;
	s5 =	simm.s32 $0xFFFFFFFF;
	p2 =	slt.u32 s8, $0xFFFFF086  }
0x1c: {  	p1 =	slt.u32 s9, $0xF7A;
	s5 =	simm.s32 @!p2 $0x0  }
0x1d: {  	s5 =	simm.s32 @p1 $0x1;
	p0 =	seq.s32 s7, s2  }
0x1e: {  	s7 =	smul.u32 @!p0 $0xF7A, s2;
	p2 =	seq.s32 @!p0 s5, $0x0  }
0x1f: {  	s9 =	smul.u32 $0xF7A, s1;
	s8 =	simm.s32 @!p0 $0x1BF5;
	p2 =	por !p2, p0  }
0x20: {  	[sflag:s8] =	ssyncset.s32 @!p0 $0xFFFFF086;
	s6 =	sadd.s32 @!p0 s3, s7;
	s7 =	simm.s32 @!p0 $0x108  }
0x21: {  	s3 =	sadd.s32 s3, s9;
	s6 =	sadd.s32 @!p0 $0x88, s6;
	s7 =	simm.s32 @p2 $0x1082  }
0x22: {  	[simem:s7], [sflag:s8] =	dma.local @!p0 [hbm:s6], $0xF7A  }
0x23: {  	s9 =	sor.u32 $0xD0000000, s2;
	s6 =	simm.s32 $0x108;
	_ =	swait.ge @!p0 [sflag:s8], $0x0  }
0x24: {  	s3 =	sadd.s32 $0x88, s3;
	s6 =	simm.s32 @!p1 $0x1082;
	[sflag:s4] =	ssyncset.s32 $0xFFFFF086  }
0x25: {  	[simem:s6], [sflag:s4] =	dma.local [hbm:s3], $0xF7A  }
0x26: {  	[smem:$0x3F9C] =	sst s1;
	(tag) =	ssettag s2;
	_ =	strace s9  }
0x27: {  	s1 =	sld [smem:$0x3FAC]  }
0x28: {  	s2 =	sld [smem:$0x3FAD]  }
0x29: {  	s4 =	sld [smem:$0x3FAF]  }
0x2a: {  	p0 =	seq.s32 s5, $0x0;
	s5 =	sld [smem:$0x3FB0]  }
0x2b: {  	s6 =	sld [smem:$0x3FB1]  }
0x2c: {  	s7 =	sld [smem:$0x3FB2]  }
0x2d: {  	s3 =	simm.s32 $0x108;
	s8 =	sld [smem:$0x3FB3]  }
0x2e: {  	s3 =	simm.s32 @!p0 $0x1082;
	s9 =	sld [smem:$0x3FB4]  }
0x2f: {  	lr =	sadd.s32 s0, s3;
	s0 =	sld [smem:$0x3FAB]  }
0x30: {  	s3 =	sld [smem:$0x3FAE]  }
0x31: {  	[smem:$0x3FB7] =	sst s10  }
0x32: {  	s10 =	sld [smem:$0x3FB5];
	_ =	sdelay $0x3  }
0x33: {  	p0 =	seq.s32 s10, $0x1;
	s10 =	sld [smem:$0x3FB7];
	_ =	sdelay $0x3  }
0x34: {  	[smem:$0x3FB7] =	sst s10  }
0x35: {  	s10 =	sld [smem:$0x3FB6];
	_ =	sdelay $0x3  }
0x36: {  	p1 =	seq.s32 s10, $0x1;
	s10 =	sld [smem:$0x3FB7];
	_ =	sdelay $0x3  }
0x37: {  	[smem:$0x3FB7] =	sst s10  }
0x38: {  	s10 =	sld [smem:$0x3FB8]  }
0x39: {  	_ = 	snop;
	(pc) =	sbr.ind lr, $3  }
0x3a: {  	_ = 	snop  }
0x3b: {  	_ = 	snop  }
0x3c: {  	p2 =	seq.s32 s10, $0x1;
	s10 =	sld [smem:$0x3FB7]  }
0x3d: {  	_ =	shalt  }
0x3e: {  	_ =	shalt  }
0x3f: {  	_ =	shalt  }
0x40: {  	_ =	shalt  }
0x41: {  	_ =	shalt  }
0x42: {  	_ =	shalt  }
0x43: {  	_ =	shalt  }
0x44: {  	_ =	shalt  }
0x45: {  	_ =	shalt  }
0x46: {  	_ =	shalt  }
0x47: {  	_ =	shalt  }
0x48: {  	_ =	shalt  }
0x49: {  	_ =	shalt  }
0x4a: {  	_ =	shalt  }
0x4b: {  	_ =	shalt  }
0x4c: {  	_ =	shalt  }
0x4d: {  	_ =	shalt  }
0x4e: {  	_ =	shalt  }
0x4f: {  	_ =	shalt  }
0x50: {  	_ =	shalt  }
0x51: {  	_ =	shalt  }
0x52: {  	_ =	shalt  }
0x53: {  	_ =	shalt  }
0x54: {  	_ =	shalt  }
0x55: {  	_ =	shalt  }
0x56: {  	_ =	shalt  }
0x57: {  	_ =	shalt  }
0x58: {  	_ =	shalt  }
0x59: {  	_ =	shalt  }
0x5a: {  	_ =	shalt  }
0x5b: {  	_ =	shalt  }
0x5c: {  	_ =	shalt  }
0x5d: {  	_ =	shalt  }
0x5e: {  	_ =	shalt  }
0x5f: {  	_ =	shalt  }
0x60: {  	_ =	shalt  }
0x61: {  	_ =	shalt  }
0x62: {  	_ =	shalt  }
0x63: {  	_ =	shalt  }
0x64: {  	_ =	shalt  }
0x65: {  	_ =	shalt  }
0x66: {  	_ =	shalt  }
0x67: {  	_ =	shalt  }
0x68: {  	_ =	shalt  }
0x69: {  	_ =	shalt  }
0x6a: {  	_ =	shalt  }
0x6b: {  	_ =	shalt  }
0x6c: {  	_ =	shalt  }
0x6d: {  	_ =	shalt  }
0x6e: {  	_ =	shalt  }
0x6f: {  	_ =	shalt  }
0x70: {  	_ =	shalt  }
0x71: {  	_ =	shalt  }
0x72: {  	_ =	shalt  }
0x73: {  	_ =	shalt  }
0x74: {  	_ =	shalt  }
0x75: {  	_ =	shalt  }
0x76: {  	_ =	shalt  }
0x77: {  	_ =	shalt  }
0x78: {  	_ =	shalt  }
0x79: {  	_ =	shalt  }
0x7a: {  	_ =	shalt  }
0x7b: {  	_ =	shalt  }
0x7c: {  	_ =	shalt  }
0x7d: {  	_ =	shalt  }
0x7e: {  	_ =	shalt  }
0x7f: {  	_ =	shalt  }
0x80: {  	_ =	shalt  }
0x81: {  	_ =	shalt  }
0x82: {  	_ =	shalt  }
0x83: {  	_ =	shalt  }
0x84: {  	_ =	shalt  }
0x85: {  	_ =	shalt  }
0x86: {  	_ =	shalt  }
0x87: {  	_ =	shalt  }
.Lfunc_end0:
.L_simem_size_0:
called_computation_lowered:
.L_overlay_start_0:
0x88: {  	s2 =	sld [smem:$0x3FD9]  }
0x89: {  	s3 =	sld [smem:$0x3FFE];
	_ =	sdelay $0x1  }
0x8a: {  	s1 =	srdreg.scid  }
0x8b: {  	s0 =	sand.u32 $0x1, s1  }
0x8c: {  	s17 =	sshll.u32 s0, $0xA;
	s2 =	sadd.s32 s3, s2  }
0x8d: {  	s2 =	sadd.s32 s2, s17  }
0x8e: {  	[smem:$0x3FC3] =	sst s2  }
0x8f: {  	_ = 	snop  }
0x90: {  	s2 =	sld [smem:$0x3FD0];
	(tm) =	ssettm $0x1  }
0x91: {  	s18 =	sld [smem:$0x3FFB];
	_ =	sdelay $0x3  }
0x92: {  	_ =	strace s18  }
0x93: {  	s3 =	sld [smem:$0x3FFC];
	_ =	sdelay $0x3  }
0x94: {  	_ =	strace s3  }
0x95: {  	s3 =	sld [smem:$0x3FFD];
	_ =	sdelay $0x3  }
0x96: {  	_ =	strace s3  }
0x97: {  	_ =	strace $0x8FFFFFFF  }
0x98: {  	s19 =	sld [smem:$0x3FDB];
	_ =	sdelay $0x1  }
0x99: {  	s4 =	simm.s32 $_scs_section_size  }
0x9a: {  	s5 =	simm.s32 $_size__tile_overlayer_lowered;
	s6 =	simm.s32 $_tile_overlayer_lowered  }
0x9b: {  	s22 =	simm.s32 $0x1BFF;
	s21 =	sshll.u32 s6, $0x1;
	s3 =	sadd.s32 s4, s19  }
0x9c: {  	s7 =	simm.s32 $0x0;
	s20 =	sshll.u32 s5, $0x1;
	s5 =	sadd.s32 s21, s3  }
0x9d: {  	[timem:s7], [sflag:s22] =	dma.local [hbm:s5], s20  }
0x9e: {  	_ =	swait.ge [sflag:s22], s20  }
0x9f: {  	s4 =	ssub.s32 $0x0, s20;
	[sflag:s22] =	ssyncset.done $0x0  }
0xa0: {  	[sflag:s22] =	ssyncadd.s32 s4;
	_ =	sdelay $0x1  }
0xa1: {  	s23 =	simm.s32 $0x1B8B  }
0xa2: {  	_ =	swait.ge [sflag:s23], $0x1  }
0xa3: {  	[sflag:s23] =	ssyncset.done $0x0  }
0xa4: {  	s25 =	simm.s32 $0x1B8E;
	s24 =	sld [smem:$0x3FFE];
	[sflag:s23] =	ssyncadd.s32 $0xFFFFFFFF  }
0xa5: {  	s26 =	simm.s32 $execute0_lowered;
	[smem:$0x3FD2] =	sst s25  }
0xa6: {  	s5 =	sshll.u32 s26, $0x1;
	_ =	strace $0x80000046;
	[dreg:$0x1] =	wrdreg $0xFFFFFFFF  }
0xa7: {  	s28 =	simm.s32 $_size_execute0_lowered;
	s3 =	sadd.s32 s3, s5;
	[dreg:$0x0] =	wrdreg $0x0  }
0xa8: {  	s5 =	sshll.u32 s28, $0x1;
	[dreg:$0x2] =	wrdreg s3  }
0xa9: {  	[dreg:$0x3] =	wrdreg s5  }
0xaa: {  	[dreg:$0x4] =	wrdreg $0xC0  }
0xab: {  	_ =	task [dreg:s7], $0x5FFFF  }
0xac: {  	[dreg:$0x1] =	wrdreg $0xFFFFFFFF  }
0xad: {  	[dreg:$0x0] =	wrdreg $0x60  }
0xae: {  	[dreg:$0x2] =	wrdreg s24  }
0xaf: {  	[dreg:$0x3] =	wrdreg s2  }
0xb0: {  	[dreg:$0x4] =	wrdreg $0x9  }
0xb1: {  	_ =	task.clear_ibuf [dreg:s7], $0x5FFFF;
	_ =	strace $0x90000046  }
0xb2: {  	s29 =	simm.s32 $0x9;
	_ =	strace $0x80000048  }
0xb3: {  	_ =	swait.ge [sflag:s29], $0x1  }
0xb4: {  	[sflag:s29] =	ssyncadd.s32 $0xFFFFFFFF  }
0xb5: {  	_ =	strace $0x90000048  }
0xb6: {  	_ =	sfence  }
0xb7: {  	s30 =	sld [smem:$0x0];
	_ =	sdelay $0x2  }
0xb8: {  	s31 =	sshll.u32 s1, $0xD;
	s1 =	sshrl.u32 s1, $0x2  }
0xb9: {  	s3 =	sand.u32 $0x4000, s31;
	s1 =	sadd.s32 s1, s30  }
0xba: {  	s0 =	sor.u32 s3, s0;
	s1 =	sshll.u32 s1, $0x11  }
0xbb: {  	s0 =	sor.u32 s1, s0  }
0xbc: {  	s0 =	sadd.s32 $0x8F2B, s0  }
0xbd: {  	[sflag:s0] =	ssyncadd.remote.s32 $0x1  }
0xbe: {  	_ =	sfence.sel $0xFFFF  }
0xbf: {  	[dreg:$0x0] =	wrdreg $0xFFFFFFFF;
	(pc) =	sbr.abs _section_cstart, $3  }
0xc0: {  	[dreg:$0x1] =	wrdreg $0xFFFFFFFF  }
0xc1: {  	_ =	task.clear_ibuf [dreg:s7], $0x2FFFF;
	_ =	strace $0x9FFFFFFF  }
0xc2: {  	(tm) =	ssettm $0x7FFFFFFF  }
0xc3: {  	_ =	shalt  }
tec
execute0_lowered:
.L_overlay_start_1:
0x0: {  	(tag) =	ssettag $0x1  }
0x1: {  	s1 =	srdreg.scid;
	s0 =	stileid.u32  }
0x2: {  	s3 =	rddreg [dreg:$0x0];
	s1 =	sand.u32 $0x1, s1;
	s2 =	sshll.u32 s0, $0x1  }
0x3: {  	s5 =	rddreg [dreg:$0x1];
	s4 =	sor.u32 s1, s2;
	s2 =	simm.s32 $0x0  }
0x4: {  	s11 =	simm.s32 $0x980;
	[smem:$0x7FF] =	sst s2  }
0x5: {  	s12 =	simm.s32 $0x1180;
	_ =	strace $0x80000047;
	[dreg:$0x5] =	wrdreg s11  }
0x6: {  	s13 =	simm.s32 $0x1980;
	[dreg:$0x6] =	wrdreg s12  }
0x7: {  	s14 =	simm.s32 $0x2180;
	[dreg:$0x7] =	wrdreg s13  }
0x8: {  	s15 =	simm.s32 $0x2980;
	[dreg:$0x8] =	wrdreg s14  }
0x9: {  	s16 =	simm.s32 $0x3180;
	[dreg:$0x9] =	wrdreg s15  }
0xa: {  	s17 =	simm.s32 $0x3980;
	s18 =	simm.s32 $0x4180;
	[dreg:$0xa] =	wrdreg s16  }
0xb: {  	s19 =	simm.s32 $0x4980;
	s20 =	simm.s32 $0x5180;
	[dreg:$0xb] =	wrdreg s17  }
0xc: {  	s21 =	simm.s32 $0x5980;
	s23 =	simm.s32 $0x6180;
	[dreg:$0xc] =	wrdreg s18  }
0xd: {  	s24 =	simm.s32 $0x6980;
	s25 =	simm.s32 $0x7180;
	[dreg:$0xd] =	wrdreg s19  }
0xe: {  	s26 =	simm.s32 $0x7980;
	s8 =	simm.s32 $0x8980;
	[dreg:$0xe] =	wrdreg s20  }
0xf: {  	s9 =	simm.s32 $0x9180;
	s28 =	simm.s32 $0x12180;
	[dreg:$0xf] =	wrdreg s21  }
0x10: {  	s29 =	simm.s32 $0x12980;
	s30 =	simm.s32 $0x13180;
	[dreg:$0x10] =	wrdreg s23  }
0x11: {  	s31 =	simm.s32 $0x13980;
	s1 =	ssub.s32 $0x2, s1;
	[dreg:$0x11] =	wrdreg s24  }
0x12: {  	s6 =	smul.u32 $0x2800, s4;
	s22 =	sshrl.u32 s1, $0x1;
	[dreg:$0x12] =	wrdreg s25  }
0x13: {  	s4 =	smul.u32 $0x28, s4;
	s1 =	ssub.s32 s1, s22;
	[dreg:$0x13] =	wrdreg s26  }
0x14: {  	s11 =	simm.s32 $0xA180;
	s12 =	simm.s32 $0xA980;
	s13 =	simm.s32 $0xB180  }
0x15: {  	s14 =	simm.s32 $0xB980;
	s15 =	simm.s32 $0xC180;
	s16 =	simm.s32 $0xC980  }
0x16: {  	s17 =	simm.s32 $0xD180;
	s18 =	simm.s32 $0xD980;
	s19 =	simm.s32 $0xE180  }
0x17: {  	s20 =	simm.s32 $0xE980;
	s21 =	simm.s32 $0xF180;
	s22 =	simm.s32 $0xF980  }
0x18: {  	s23 =	simm.s32 $0x10180;
	s24 =	simm.s32 $0x10980;
	s25 =	simm.s32 $0x11180  }
0x19: {  	s26 =	simm.s32 $0x11980;
	s6 =	sadd.s32 s6, s3;
	s4 =	sadd.s32 s5, s4  }
0x1a: {  	v2 =	vlaneseq.u32;
	s3 =	sadd.s32 $0x189C00, s3;
	s5 =	simm.s32 $0x2;
	[dreg:$0x3] =	wrdreg s4  }
0x1b: {  	vm0 =	vmmov $0xffff;
	v1 =	vshrl.u32 v2, $0x3;
	s10 =	sadd.s32 $0x5C00, s6;
	s4 =	smax.u32 s1, $0x1;
	s6 =	simm.s32 $0x180  }
0x1c: {  	v0 =	vand.u32 $0x7, v2;
	v2 =	vor.u32 $0x8, v2;
	v1 =	vmul.u32 $0x8, v1;
	s1 =	simm.s32 $0x1;
	[dreg:$0x4] =	wrdreg s10;
	s10 =	simm.s32 $0x9980  }
.LBB2_1:
0x1d: {  	s0 =	rddreg [dreg:$0x3]  }
0x1e: {  	[tilespmem:s2], [sflag:$0x2] =	stream.linear.gather [hbm4b:s0+s2], $0x140, $0x38;
	[tilespmem:$0x14180] =	vst v63  }
0x1f: {  	_ =	swait.ge [sflag:s5], $0x140  }
0x20: {  	[sflag:s5] =	ssyncset.done $0x0  }
0x21: {  	[sflag:s5] =	ssyncadd.s32 $0xFFFFFEC0  }
0x22: {  	v3 =	vld [tilespmem:$0x0];
	_ =	sdelay $0x4  }
0x23: {  	v4 =	vshll.u32 v3, $0x1  }
0x24: {  	v3 =	vand.u32 $0x7, v3;
	v4 =	vand.u32 $0xFFFFFFF0, v4  }
0x25: {  	v3 =	vor.u32 v3, v4  }
0x26: {  	v4 =	vperm.xlane v3, v0;
	_ =	sdelay $0x1  }
0x27: {  	v3 =	vperm.xlane v3, v2;
	v4 =	vadd.s32 v1, v4;
	_ =	sdelay $0x1  }
0x28: {  	v3 =	vadd.s32 v1, v3;
	_ =	sdelay $0x2  }
0x29: {  	[tilespmem:s6], [sflag:$0x1] =	stream.indirect_vreg.gather [hbm4b:s3+s2], $0x80, v4, vm0, $0xb8;
	[tilespmem:$0x14180] =	vst v63  }
0x2a: {  	s7 =	rddreg [dreg:$0x5]  }
0x2b: {  	[tilespmem:s7], [sflag:$0x1] =	stream.indirect_vreg.gather [hbm4b:s3+s2], $0x80, v3, vm0, $0xb8;
	[tilespmem:$0x14180] =	vst v63  }
0x2c: {  	v3 =	vld [tilespmem:$0x10];
	_ =	sdelay $0x4  }
0x2d: {  	v45 =	vshll.u32 v3, $0x1  }
0x2e: {  	v3 =	vand.u32 $0x7, v3;
	v4 =	vand.u32 $0xFFFFFFF0, v45  }
0x2f: {  	v3 =	vor.u32 v3, v4  }
0x30: {  	v4 =	vperm.xlane v3, v0;
	_ =	sdelay $0x1  }
0x31: {  	v3 =	vperm.xlane v3, v2;
	v4 =	vadd.s32 v1, v4;
	_ =	sdelay $0x1  }
0x32: {  	v3 =	vadd.s32 v1, v3;
	_ =	sdelay $0x1  }
0x33: {  	s0 =	rddreg [dreg:$0x6]  }
0x34: {  	[tilespmem:s0], [sflag:$0x1] =	stream.indirect_vreg.gather [hbm4b:s3+s2], $0x80, v4, vm0, $0xb8;
	[tilespmem:$0x14180] =	vst v63  }
0x35: {  	s7 =	rddreg [dreg:$0x7]  }
0x36: {  	[tilespmem:s7], [sflag:$0x1] =	stream.indirect_vreg.gather [hbm4b:s3+s2], $0x80, v3, vm0, $0xb8;
	[tilespmem:$0x14180] =	vst v63  }
0x37: {  	v3 =	vld [tilespmem:$0x20];
	_ =	sdelay $0x4  }
0x38: {  	v46 =	vshll.u32 v3, $0x1  }
0x39: {  	v3 =	vand.u32 $0x7, v3;
	v4 =	vand.u32 $0xFFFFFFF0, v46  }
0x3a: {  	v3 =	vor.u32 v3, v4  }
0x3b: {  	v4 =	vperm.xlane v3, v0;
	_ =	sdelay $0x1  }
0x3c: {  	v3 =	vperm.xlane v3, v2;
	v4 =	vadd.s32 v1, v4;
	_ =	sdelay $0x1  }
0x3d: {  	v3 =	vadd.s32 v1, v3;
	_ =	sdelay $0x1  }
0x3e: {  	s0 =	rddreg [dreg:$0x8]  }
0x3f: {  	[tilespmem:s0], [sflag:$0x1] =	stream.indirect_vreg.gather [hbm4b:s3+s2], $0x80, v4, vm0, $0xb8;
	[tilespmem:$0x14180] =	vst v63  }
0x40: {  	s7 =	rddreg [dreg:$0x9]  }
0x41: {  	[tilespmem:s7], [sflag:$0x1] =	stream.indirect_vreg.gather [hbm4b:s3+s2], $0x80, v3, vm0, $0xb8;
	[tilespmem:$0x14180] =	vst v63  }
0x42: {  	v3 =	vld [tilespmem:$0x30];
	_ =	sdelay $0x4  }
0x43: {  	v47 =	vshll.u32 v3, $0x1  }
0x44: {  	v3 =	vand.u32 $0x7, v3;
	v4 =	vand.u32 $0xFFFFFFF0, v47  }
0x45: {  	v3 =	vor.u32 v3, v4  }
0x46: {  	v4 =	vperm.xlane v3, v0;
	_ =	sdelay $0x1  }
0x47: {  	v3 =	vperm.xlane v3, v2;
	v4 =	vadd.s32 v1, v4;
	_ =	sdelay $0x1  }
0x48: {  	v3 =	vadd.s32 v1, v3;
	_ =	sdelay $0x1  }
0x49: {  	s0 =	rddreg [dreg:$0xa]  }
0x4a: {  	[tilespmem:s0], [sflag:$0x1] =	stream.indirect_vreg.gather [hbm4b:s3+s2], $0x80, v4, vm0, $0xb8;
	[tilespmem:$0x14180] =	vst v63  }
0x4b: {  	s7 =	rddreg [dreg:$0xb]  }
0x4c: {  	[tilespmem:s7], [sflag:$0x1] =	stream.indirect_vreg.gather [hbm4b:s3+s2], $0x80, v3, vm0, $0xb8;
	[tilespmem:$0x14180] =	vst v63  }
0x4d: {  	v3 =	vld [tilespmem:$0x40];
	_ =	sdelay $0x4  }
0x4e: {  	v48 =	vshll.u32 v3, $0x1  }
0x4f: {  	v3 =	vand.u32 $0x7, v3;
	v4 =	vand.u32 $0xFFFFFFF0, v48  }
0x50: {  	v3 =	vor.u32 v3, v4  }
0x51: {  	v4 =	vperm.xlane v3, v0;
	_ =	sdelay $0x1  }
0x52: {  	v3 =	vperm.xlane v3, v2;
	v4 =	vadd.s32 v1, v4;
	_ =	sdelay $0x1  }
0x53: {  	v3 =	vadd.s32 v1, v3;
	_ =	sdelay $0x1  }
0x54: {  	s0 =	rddreg [dreg:$0xc]  }
0x55: {  	[tilespmem:s0], [sflag:$0x1] =	stream.indirect_vreg.gather [hbm4b:s3+s2], $0x80, v4, vm0, $0xb8;
	[tilespmem:$0x14180] =	vst v63  }
0x56: {  	s7 =	rddreg [dreg:$0xd]  }
0x57: {  	[tilespmem:s7], [sflag:$0x1] =	stream.indirect_vreg.gather [hbm4b:s3+s2], $0x80, v3, vm0, $0xb8;
	[tilespmem:$0x14180] =	vst v63  }
0x58: {  	v3 =	vld [tilespmem:$0x50];
	_ =	sdelay $0x4  }
0x59: {  	v49 =	vshll.u32 v3, $0x1  }
0x5a: {  	v3 =	vand.u32 $0x7, v3;
	v4 =	vand.u32 $0xFFFFFFF0, v49  }
0x5b: {  	v3 =	vor.u32 v3, v4  }
0x5c: {  	v4 =	vperm.xlane v3, v0;
	_ =	sdelay $0x1  }
0x5d: {  	v3 =	vperm.xlane v3, v2;
	v4 =	vadd.s32 v1, v4;
	_ =	sdelay $0x1  }
0x5e: {  	v3 =	vadd.s32 v1, v3;
	_ =	sdelay $0x1  }
0x5f: {  	s0 =	rddreg [dreg:$0xe]  }
0x60: {  	[tilespmem:s0], [sflag:$0x1] =	stream.indirect_vreg.gather [hbm4b:s3+s2], $0x80, v4, vm0, $0xb8;
	[tilespmem:$0x14180] =	vst v63  }
0x61: {  	s7 =	rddreg [dreg:$0xf]  }
0x62: {  	[tilespmem:s7], [sflag:$0x1] =	stream.indirect_vreg.gather [hbm4b:s3+s2], $0x80, v3, vm0, $0xb8;
	[tilespmem:$0x14180] =	vst v63  }
0x63: {  	v3 =	vld [tilespmem:$0x60];
	_ =	sdelay $0x4  }
0x64: {  	v50 =	vshll.u32 v3, $0x1  }
0x65: {  	v3 =	vand.u32 $0x7, v3;
	v4 =	vand.u32 $0xFFFFFFF0, v50  }
0x66: {  	v3 =	vor.u32 v3, v4  }
0x67: {  	v4 =	vperm.xlane v3, v0;
	_ =	sdelay $0x1  }
0x68: {  	v3 =	vperm.xlane v3, v2;
	v4 =	vadd.s32 v1, v4;
	_ =	sdelay $0x1  }
0x69: {  	v3 =	vadd.s32 v1, v3;
	_ =	sdelay $0x1  }
0x6a: {  	s0 =	rddreg [dreg:$0x10]  }
0x6b: {  	[tilespmem:s0], [sflag:$0x1] =	stream.indirect_vreg.gather [hbm4b:s3+s2], $0x80, v4, vm0, $0xb8;
	[tilespmem:$0x14180] =	vst v63  }
0x6c: {  	s7 =	rddreg [dreg:$0x11]  }
0x6d: {  	[tilespmem:s7], [sflag:$0x1] =	stream.indirect_vreg.gather [hbm4b:s3+s2], $0x80, v3, vm0, $0xb8;
	[tilespmem:$0x14180] =	vst v63  }
0x6e: {  	v3 =	vld [tilespmem:$0x70];
	_ =	sdelay $0x4  }
0x6f: {  	v51 =	vshll.u32 v3, $0x1  }
0x70: {  	v3 =	vand.u32 $0x7, v3;
	v4 =	vand.u32 $0xFFFFFFF0, v51  }
0x71: {  	v3 =	vor.u32 v3, v4  }
0x72: {  	v4 =	vperm.xlane v3, v0;
	_ =	sdelay $0x1  }
0x73: {  	v3 =	vperm.xlane v3, v2;
	v4 =	vadd.s32 v1, v4;
	_ =	sdelay $0x1  }
0x74: {  	v3 =	vadd.s32 v1, v3;
	_ =	sdelay $0x1  }
0x75: {  	s0 =	rddreg [dreg:$0x12]  }
0x76: {  	[tilespmem:s0], [sflag:$0x1] =	stream.indirect_vreg.gather [hbm4b:s3+s2], $0x80, v4, vm0, $0xb8;
	[tilespmem:$0x14180] =	vst v63  }
0x77: {  	s7 =	rddreg [dreg:$0x13]  }
0x78: {  	[tilespmem:s7], [sflag:$0x1] =	stream.indirect_vreg.gather [hbm4b:s3+s2], $0x80, v3, vm0, $0xb8;
	[tilespmem:$0x14180] =	vst v63  }
0x79: {  	v3 =	vld [tilespmem:$0x80];
	_ =	sdelay $0x4  }
0x7a: {  	v52 =	vshll.u32 v3, $0x1  }
0x7b: {  	v3 =	vand.u32 $0x7, v3;
	v4 =	vand.u32 $0xFFFFFFF0, v52  }
0x7c: {  	v3 =	vor.u32 v3, v4  }
0x7d: {  	v4 =	vperm.xlane v3, v0;
	_ =	sdelay $0x1  }
0x7e: {  	v3 =	vperm.xlane v3, v2;
	v4 =	vadd.s32 v1, v4;
	_ =	sdelay $0x1  }
0x7f: {  	v3 =	vadd.s32 v1, v3;
	_ =	sdelay $0x1  }
0x80: {  	s7 =	simm.s32 $0x8180  }
0x81: {  	[tilespmem:s7], [sflag:$0x1] =	stream.indirect_vreg.gather [hbm4b:s3+s2], $0x80, v4, vm0, $0xb8;
	[tilespmem:$0x14180] =	vst v63  }
0x82: {  	_ = 	snop  }
0x83: {  	[tilespmem:s8], [sflag:$0x1] =	stream.indirect_vreg.gather [hbm4b:s3+s2], $0x80, v3, vm0, $0xb8;
	[tilespmem:$0x14180] =	vst v63  }
0x84: {  	v3 =	vld [tilespmem:$0x90];
	_ =	sdelay $0x4  }
0x85: {  	v53 =	vshll.u32 v3, $0x1  }
0x86: {  	v3 =	vand.u32 $0x7, v3;
	v4 =	vand.u32 $0xFFFFFFF0, v53  }
0x87: {  	v3 =	vor.u32 v3, v4  }
0x88: {  	v4 =	vperm.xlane v3, v0;
	_ =	sdelay $0x1  }
0x89: {  	v3 =	vperm.xlane v3, v2;
	v4 =	vadd.s32 v1, v4;
	_ =	sdelay $0x1  }
0x8a: {  	v3 =	vadd.s32 v1, v3;
	_ =	sdelay $0x2  }
0x8b: {  	[tilespmem:s9], [sflag:$0x1] =	stream.indirect_vreg.gather [hbm4b:s3+s2], $0x80, v4, vm0, $0xb8;
	[tilespmem:$0x14180] =	vst v63  }
0x8c: {  	_ = 	snop  }
0x8d: {  	[tilespmem:s10], [sflag:$0x1] =	stream.indirect_vreg.gather [hbm4b:s3+s2], $0x80, v3, vm0, $0xb8;
	[tilespmem:$0x14180] =	vst v63  }
0x8e: {  	v3 =	vld [tilespmem:$0xA0];
	_ =	sdelay $0x4  }
0x8f: {  	v54 =	vshll.u32 v3, $0x1  }
0x90: {  	v3 =	vand.u32 $0x7, v3;
	v4 =	vand.u32 $0xFFFFFFF0, v54  }
0x91: {  	v3 =	vor.u32 v3, v4  }
0x92: {  	v4 =	vperm.xlane v3, v0;
	_ =	sdelay $0x1  }
0x93: {  	v3 =	vperm.xlane v3, v2;
	v4 =	vadd.s32 v1, v4;
	_ =	sdelay $0x1  }
0x94: {  	v3 =	vadd.s32 v1, v3;
	_ =	sdelay $0x2  }
0x95: {  	[tilespmem:s11], [sflag:$0x1] =	stream.indirect_vreg.gather [hbm4b:s3+s2], $0x80, v4, vm0, $0xb8;
	[tilespmem:$0x14180] =	vst v63  }
0x96: {  	_ = 	snop  }
0x97: {  	[tilespmem:s12], [sflag:$0x1] =	stream.indirect_vreg.gather [hbm4b:s3+s2], $0x80, v3, vm0, $0xb8;
	[tilespmem:$0x14180] =	vst v63  }
0x98: {  	v3 =	vld [tilespmem:$0xB0];
	_ =	sdelay $0x4  }
0x99: {  	v55 =	vshll.u32 v3, $0x1  }
0x9a: {  	v3 =	vand.u32 $0x7, v3;
	v4 =	vand.u32 $0xFFFFFFF0, v55  }
0x9b: {  	v3 =	vor.u32 v3, v4  }
0x9c: {  	v4 =	vperm.xlane v3, v0;
	_ =	sdelay $0x1  }
0x9d: {  	v3 =	vperm.xlane v3, v2;
	v4 =	vadd.s32 v1, v4;
	_ =	sdelay $0x1  }
0x9e: {  	v3 =	vadd.s32 v1, v3;
	_ =	sdelay $0x2  }
0x9f: {  	[tilespmem:s13], [sflag:$0x1] =	stream.indirect_vreg.gather [hbm4b:s3+s2], $0x80, v4, vm0, $0xb8;
	[tilespmem:$0x14180] =	vst v63  }
0xa0: {  	_ = 	snop  }
0xa1: {  	[tilespmem:s14], [sflag:$0x1] =	stream.indirect_vreg.gather [hbm4b:s3+s2], $0x80, v3, vm0, $0xb8;
	[tilespmem:$0x14180] =	vst v63  }
0xa2: {  	v3 =	vld [tilespmem:$0xC0];
	_ =	sdelay $0x4  }
0xa3: {  	v56 =	vshll.u32 v3, $0x1  }
0xa4: {  	v3 =	vand.u32 $0x7, v3;
	v4 =	vand.u32 $0xFFFFFFF0, v56  }
0xa5: {  	v3 =	vor.u32 v3, v4  }
0xa6: {  	v4 =	vperm.xlane v3, v0;
	_ =	sdelay $0x1  }
0xa7: {  	v3 =	vperm.xlane v3, v2;
	v4 =	vadd.s32 v1, v4;
	_ =	sdelay $0x1  }
0xa8: {  	v3 =	vadd.s32 v1, v3;
	_ =	sdelay $0x2  }
0xa9: {  	[tilespmem:s15], [sflag:$0x1] =	stream.indirect_vreg.gather [hbm4b:s3+s2], $0x80, v4, vm0, $0xb8;
	[tilespmem:$0x14180] =	vst v63  }
0xaa: {  	_ = 	snop  }
0xab: {  	[tilespmem:s16], [sflag:$0x1] =	stream.indirect_vreg.gather [hbm4b:s3+s2], $0x80, v3, vm0, $0xb8;
	[tilespmem:$0x14180] =	vst v63  }
0xac: {  	v3 =	vld [tilespmem:$0xD0];
	_ =	sdelay $0x4  }
0xad: {  	v57 =	vshll.u32 v3, $0x1  }
0xae: {  	v3 =	vand.u32 $0x7, v3;
	v4 =	vand.u32 $0xFFFFFFF0, v57  }
0xaf: {  	v3 =	vor.u32 v3, v4  }
0xb0: {  	v4 =	vperm.xlane v3, v0;
	_ =	sdelay $0x1  }
0xb1: {  	v3 =	vperm.xlane v3, v2;
	v4 =	vadd.s32 v1, v4;
	_ =	sdelay $0x1  }
0xb2: {  	v3 =	vadd.s32 v1, v3;
	_ =	sdelay $0x2  }
0xb3: {  	[tilespmem:s17], [sflag:$0x1] =	stream.indirect_vreg.gather [hbm4b:s3+s2], $0x80, v4, vm0, $0xb8;
	[tilespmem:$0x14180] =	vst v63  }
0xb4: {  	_ = 	snop  }
0xb5: {  	[tilespmem:s18], [sflag:$0x1] =	stream.indirect_vreg.gather [hbm4b:s3+s2], $0x80, v3, vm0, $0xb8;
	[tilespmem:$0x14180] =	vst v63  }
0xb6: {  	v3 =	vld [tilespmem:$0xE0];
	_ =	sdelay $0x4  }
0xb7: {  	v58 =	vshll.u32 v3, $0x1  }
0xb8: {  	v3 =	vand.u32 $0x7, v3;
	v4 =	vand.u32 $0xFFFFFFF0, v58  }
0xb9: {  	v3 =	vor.u32 v3, v4  }
0xba: {  	v4 =	vperm.xlane v3, v0;
	_ =	sdelay $0x1  }
0xbb: {  	v3 =	vperm.xlane v3, v2;
	v4 =	vadd.s32 v1, v4;
	_ =	sdelay $0x1  }
0xbc: {  	v3 =	vadd.s32 v1, v3;
	_ =	sdelay $0x2  }
0xbd: {  	[tilespmem:s19], [sflag:$0x1] =	stream.indirect_vreg.gather [hbm4b:s3+s2], $0x80, v4, vm0, $0xb8;
	[tilespmem:$0x14180] =	vst v63  }
0xbe: {  	_ = 	snop  }
0xbf: {  	[tilespmem:s20], [sflag:$0x1] =	stream.indirect_vreg.gather [hbm4b:s3+s2], $0x80, v3, vm0, $0xb8;
	[tilespmem:$0x14180] =	vst v63  }
0xc0: {  	v3 =	vld [tilespmem:$0xF0];
	_ =	sdelay $0x4  }
0xc1: {  	v59 =	vshll.u32 v3, $0x1  }
0xc2: {  	v3 =	vand.u32 $0x7, v3;
	v4 =	vand.u32 $0xFFFFFFF0, v59  }
0xc3: {  	v3 =	vor.u32 v3, v4  }
0xc4: {  	v4 =	vperm.xlane v3, v0;
	_ =	sdelay $0x1  }
0xc5: {  	v3 =	vperm.xlane v3, v2;
	v4 =	vadd.s32 v1, v4;
	_ =	sdelay $0x1  }
0xc6: {  	v3 =	vadd.s32 v1, v3;
	_ =	sdelay $0x2  }
0xc7: {  	[tilespmem:s21], [sflag:$0x1] =	stream.indirect_vreg.gather [hbm4b:s3+s2], $0x80, v4, vm0, $0xb8;
	[tilespmem:$0x14180] =	vst v63  }
0xc8: {  	_ = 	snop  }
0xc9: {  	[tilespmem:s22], [sflag:$0x1] =	stream.indirect_vreg.gather [hbm4b:s3+s2], $0x80, v3, vm0, $0xb8;
	[tilespmem:$0x14180] =	vst v63  }
0xca: {  	v3 =	vld [tilespmem:$0x100];
	_ =	sdelay $0x4  }
0xcb: {  	v60 =	vshll.u32 v3, $0x1  }
0xcc: {  	v3 =	vand.u32 $0x7, v3;
	v4 =	vand.u32 $0xFFFFFFF0, v60  }
0xcd: {  	v3 =	vor.u32 v3, v4  }
0xce: {  	v4 =	vperm.xlane v3, v0;
	_ =	sdelay $0x1  }
0xcf: {  	v3 =	vperm.xlane v3, v2;
	v4 =	vadd.s32 v1, v4;
	_ =	sdelay $0x1  }
0xd0: {  	v3 =	vadd.s32 v1, v3;
	_ =	sdelay $0x2  }
0xd1: {  	[tilespmem:s23], [sflag:$0x1] =	stream.indirect_vreg.gather [hbm4b:s3+s2], $0x80, v4, vm0, $0xb8;
	[tilespmem:$0x14180] =	vst v63  }
0xd2: {  	_ = 	snop  }
0xd3: {  	[tilespmem:s24], [sflag:$0x1] =	stream.indirect_vreg.gather [hbm4b:s3+s2], $0x80, v3, vm0, $0xb8;
	[tilespmem:$0x14180] =	vst v63  }
0xd4: {  	v3 =	vld [tilespmem:$0x110];
	_ =	sdelay $0x4  }
0xd5: {  	v61 =	vshll.u32 v3, $0x1  }
0xd6: {  	v3 =	vand.u32 $0x7, v3;
	v4 =	vand.u32 $0xFFFFFFF0, v61  }
0xd7: {  	v3 =	vor.u32 v3, v4  }
0xd8: {  	v4 =	vperm.xlane v3, v0;
	_ =	sdelay $0x1  }
0xd9: {  	v3 =	vperm.xlane v3, v2;
	v4 =	vadd.s32 v1, v4;
	_ =	sdelay $0x1  }
0xda: {  	v3 =	vadd.s32 v1, v3;
	_ =	sdelay $0x2  }
0xdb: {  	[tilespmem:s25], [sflag:$0x1] =	stream.indirect_vreg.gather [hbm4b:s3+s2], $0x80, v4, vm0, $0xb8;
	[tilespmem:$0x14180] =	vst v63  }
0xdc: {  	_ = 	snop  }
0xdd: {  	[tilespmem:s26], [sflag:$0x1] =	stream.indirect_vreg.gather [hbm4b:s3+s2], $0x80, v3, vm0, $0xb8;
	[tilespmem:$0x14180] =	vst v63  }
0xde: {  	v3 =	vld [tilespmem:$0x120];
	_ =	sdelay $0x4  }
0xdf: {  	v62 =	vshll.u32 v3, $0x1  }
0xe0: {  	v3 =	vand.u32 $0x7, v3;
	v4 =	vand.u32 $0xFFFFFFF0, v62  }
0xe1: {  	v3 =	vor.u32 v3, v4  }
0xe2: {  	v4 =	vperm.xlane v3, v0;
	_ =	sdelay $0x1  }
0xe3: {  	v3 =	vperm.xlane v3, v2;
	v4 =	vadd.s32 v1, v4;
	_ =	sdelay $0x1  }
0xe4: {  	v3 =	vadd.s32 v1, v3;
	_ =	sdelay $0x2  }
0xe5: {  	[tilespmem:s28], [sflag:$0x1] =	stream.indirect_vreg.gather [hbm4b:s3+s2], $0x80, v4, vm0, $0xb8;
	[tilespmem:$0x14180] =	vst v63  }
0xe6: {  	_ = 	snop  }
0xe7: {  	[tilespmem:s29], [sflag:$0x1] =	stream.indirect_vreg.gather [hbm4b:s3+s2], $0x80, v3, vm0, $0xb8;
	[tilespmem:$0x14180] =	vst v63  }
0xe8: {  	v3 =	vld [tilespmem:$0x130];
	_ =	sdelay $0x4  }
0xe9: {  	v63 =	vshll.u32 v3, $0x1  }
0xea: {  	v3 =	vand.u32 $0x7, v3;
	v4 =	vand.u32 $0xFFFFFFF0, v63  }
0xeb: {  	v3 =	vor.u32 v3, v4  }
0xec: {  	v4 =	vperm.xlane v3, v0;
	_ =	sdelay $0x1  }
0xed: {  	v3 =	vperm.xlane v3, v2;
	v4 =	vadd.s32 v1, v4;
	_ =	sdelay $0x1  }
0xee: {  	v3 =	vadd.s32 v1, v3;
	_ =	sdelay $0x2  }
0xef: {  	[tilespmem:s30], [sflag:$0x1] =	stream.indirect_vreg.gather [hbm4b:s3+s2], $0x80, v4, vm0, $0xb8;
	[tilespmem:$0x14180] =	vst v63  }
0xf0: {  	_ = 	snop  }
0xf1: {  	[tilespmem:s31], [sflag:$0x1] =	stream.indirect_vreg.gather [hbm4b:s3+s2], $0x80, v3, vm0, $0xb8;
	[tilespmem:$0x14180] =	vst v63  }
0xf2: {  	_ =	swait.ge [sflag:s1], $0x14000  }
0xf3: {  	p0 =	sne.s32 s4, $0x1;
	[sflag:s1] =	ssyncset.done $0x0  }
.Ltmp0:
0xf4: {  	s7 =	rddreg [dreg:$0x4];
	[sflag:s1] =	ssyncadd.s32 $0xFFFEC000;
	(pc) =	sbr.rel @p0 .LBB2_1-.Ltmp0, $4  }
0xf5: {  	[hbm4b:s7+s2] =	stream.linear.scatter [tilespmem:s6], [sflag:$0x2], $0x14000, $0x38;
	[tilespmem:$0x14180] =	vst v63  }
0xf6: {  	_ =	swait.ge [sflag:s5], $0x14000  }
0xf7: {  	[sflag:s5] =	ssyncset.done $0x0  }
0xf8: {  	s4 =	sadd.s32 $0xFFFFFFFF, s4;
	[sflag:s5] =	ssyncadd.s32 $0xFFFEC000  }
0xf9: {  	_ =	sfence.sel $0x180000  }
0xfa: {  	[bflag:$0x0] =	sbarrier.arrive $0xFFFF  }
0xfb: {  	_ =	strace $0x90000047  }
0xfc: {  	s0 =	stileid.u32;
	[bflag:$0x2] =	sbarrier.arrive $0xFFFF  }
0xfd: {  	p0 =	sne.s32 s0, $0x0;
	s0 =	rddreg [dreg:$0x2]  }
0xfe: {  	s0 =	sadd.s32 @!p0 $0x100000, s0  }
0xff: {  	[sflag:s0] =	ssyncadd.tile.s32 @!p0 $0x1;
	_ =	shalt  }
.Lfunc_end2:
_tile_overlayer_lowered:
.L_overlay_start_2:
0x100: {  	(tag) =	ssettag $0x2  }
0x101: {  	s0 =	rddreg [dreg:$0x0];
	s2 =	stileid.u32  }
0x102: {  	s1 =	rddreg [dreg:$0x1];
	p0 =	sne.s32 s2, $0x0  }
0x103: {  	s3 =	rddreg [dreg:$0x2];
	[bflag:$0x3] =	sbarrier.arrive $0xFFFF;
	s2 =	simm.s32 @!p0 $0x1C02  }
0x104: {  	[timem:s3], [sflag:s2] =	dma.local @!p0 [hbm:s0], s1  }
0x105: {  	s0 =	simm.s32 @!p0 $0x2  }
0x106: {  	_ =	swait.ge @!p0 [sflag:s0], s1  }
0x107: {  	s1 =	ssub.s32 @!p0 $0x0, s1;
	[sflag:s0] =	ssyncset.done @!p0 $0x0  }
0x108: {  	[sflag:s0] =	ssyncadd.s32 @!p0 s1  }
0x109: {  	[bflag:$0x3] =	sbarrier.arrive $0xFFFF  }
0x10a: {  	_ =	shalt  }

</sc_bundles>
